<compile_context>
chip_gen: v7x
topology: tpu7x:2x2x1
jax: 0.10.2.dev20260603
libtpu: 0.0.44.dev20260713+nightly
codegen_flags: <defaults>
</compile_context>

<pallas_src>
import functools

import jax
import jax.numpy as jnp
from jax import lax
from jax.experimental import pallas as pl
from jax.experimental.pallas import tpu as pltpu
from jax.experimental.pallas import tpu_sc as plsc

N = 10000
E = 320000
D0 = 128
D1 = 256

NC = 2
NS = 16
NW = NC * NS
LANE = 128
NB = -(-E // (NW * LANE))
E_PAD = NW * NB * LANE
N_PAD = 10240
ROWS_PT = N_PAD // NS
BLK = 1000

_mesh = plsc.VectorSubcoreMesh(core_axis_name="c", subcore_axis_name="s")


NB2 = -(-E // (NS * LANE))
E_PAD2 = NS * LANE * NB2


@functools.partial(
    pl.kernel,
    out_type=jax.ShapeDtypeStruct((NC, N_PAD, D0), jnp.float32),
    mesh=_mesh,
    scratch_types=[
        pltpu.VMEM((NB2, LANE), jnp.int32),
        pltpu.VMEM((LANE, D0), jnp.float32),
        pltpu.VMEM((64, D0), jnp.float32),
        pltpu.VMEM_SHARED((N_PAD, D0), jnp.float32),
    ],
)
def _deg_kernel(edges_h, deg_h, idx_v, ones_v, z_v, deg_sp):
    c = lax.axis_index("c")
    s = lax.axis_index("s")
    base = s * ROWS_PT

    def fill(i, _):
        for k in range(D0 // 16):
            ones_v[i, pl.ds(k * 16, 16)] = jnp.ones((16,), jnp.float32)
        return 0

    lax.fori_loop(0, LANE, fill, 0)

    def fill_z(i, _):
        for k in range(D0 // 16):
            z_v[i, pl.ds(k * 16, 16)] = jnp.zeros((16,), jnp.float32)
        return 0

    lax.fori_loop(0, 64, fill_z, 0)
    for t in range(ROWS_PT // 64):
        pltpu.sync_copy(z_v, deg_sp.at[pl.ds(base + t * 64, 64)])
    pltpu.sync_copy(edges_h.at[c, s], idx_v)
    plsc.subcore_barrier()

    def body(j, _):
        pltpu.sync_copy(ones_v, deg_sp.at[idx_v.at[j]], add=True)
        return 0

    lax.fori_loop(0, NB2, body, 0)
    plsc.subcore_barrier()
    pltpu.sync_copy(deg_sp.at[pl.ds(base, ROWS_PT)],
                    deg_h.at[c, pl.ds(base, ROWS_PT)])


@functools.partial(
    pl.kernel,
    out_type=jax.ShapeDtypeStruct((NC, N_PAD, D0), jnp.float32),
    mesh=_mesh,
    scratch_types=[
        pltpu.VMEM((NB, LANE), jnp.int32),
        pltpu.VMEM((NB, LANE), jnp.int32),
        pltpu.VMEM((LANE, D0), jnp.float32),
        pltpu.VMEM((64, D0), jnp.float32),
        pltpu.VMEM_SHARED((N_PAD, D0), jnp.float32),
        pltpu.SemaphoreType.DMA,
    ],
)
def _spmm_kernel(x_h, src_h, dst_h, out_h,
                 src_v, dst_v, rows_v, z_v, acc_sp, sem):
    c = lax.axis_index("c")
    s = lax.axis_index("s")
    wid = c * NS + s
    base = s * ROWS_PT

    def fill(i, _):
        for k in range(D0 // 16):
            z_v[i, pl.ds(k * 16, 16)] = jnp.zeros((16,), jnp.float32)
        return 0

    lax.fori_loop(0, 64, fill, 0)
    for t in range(ROWS_PT // 64):
        pltpu.sync_copy(z_v, acc_sp.at[pl.ds(base + t * 64, 64)])
    pltpu.sync_copy(src_h.at[wid], src_v)
    pltpu.sync_copy(dst_h.at[wid], dst_v)
    plsc.subcore_barrier()

    def body(j, _):
        pltpu.async_copy(x_h.at[src_v.at[j]], rows_v, sem).wait()
        pltpu.sync_copy(rows_v, acc_sp.at[dst_v.at[j]], add=True)
        return 0

    lax.fori_loop(0, NB, body, 0)
    plsc.subcore_barrier()
    pltpu.sync_copy(acc_sp.at[pl.ds(base, ROWS_PT)],
                    out_h.at[c, pl.ds(base, ROWS_PT)])


def _norm(deg_block, plane):
    return lax.rsqrt(jnp.maximum(deg_block[plane, :, 0:1], 1.0))


def _scale_body(feat_ref, deg_ref, o_ref):
    o_ref[...] = feat_ref[...] * _norm(deg_ref, 0)


def _mid_body(p_ref, deg_ref, w1_ref, b1_ref, w2_ref, o_ref):
    agg = (p_ref[0] + p_ref[1]) * _norm(deg_ref, 1)
    y = jnp.maximum(
        jnp.dot(agg, w1_ref[...], preferred_element_type=jnp.float32)
        + b1_ref[...], 0.0)
    o_ref[...] = jnp.dot(y * _norm(deg_ref, 0), w2_ref[...],
                         preferred_element_type=jnp.float32)


def _final_body(q_ref, deg_ref, b2_ref, o_ref):
    o_ref[...] = jnp.maximum(
        (q_ref[0] + q_ref[1]) * _norm(deg_ref, 1) + b2_ref[...], 0.0)


_deg_spec = pl.BlockSpec((NC, BLK, D0), lambda i: (0, i, 0))
_part_spec = pl.BlockSpec((NC, BLK, D0), lambda i: (0, i, 0))
_row_spec = pl.BlockSpec((BLK, D0), lambda i: (i, 0))

_scale_call = pl.pallas_call(
    _scale_body,
    grid=(N // BLK,),
    in_specs=[_row_spec, _deg_spec],
    out_specs=_row_spec,
    out_shape=jax.ShapeDtypeStruct((N, D0), jnp.float32),
)

_mid_call = pl.pallas_call(
    _mid_body,
    grid=(N // BLK,),
    in_specs=[
        _part_spec, _deg_spec,
        pl.BlockSpec((D0, D1), lambda i: (0, 0)),
        pl.BlockSpec((1, D1), lambda i: (0, 0)),
        pl.BlockSpec((D1, D0), lambda i: (0, 0)),
    ],
    out_specs=_row_spec,
    out_shape=jax.ShapeDtypeStruct((N, D0), jnp.float32),
)

_final_call = pl.pallas_call(
    _final_body,
    grid=(N // BLK,),
    in_specs=[_part_spec, _deg_spec, pl.BlockSpec((1, D0), lambda i: (0, 0))],
    out_specs=_row_spec,
    out_shape=jax.ShapeDtypeStruct((N, D0), jnp.float32),
)


def kernel(feat, edge_index, W1, b1, W2, b2):
    src = edge_index[0]
    dst = edge_index[1]
    pad = E_PAD - E
    src_g = jnp.concatenate(
        [src, jnp.zeros((pad,), jnp.int32)]).reshape(NW, NB, LANE)
    dst_p = jnp.concatenate(
        [dst, jnp.full((pad,), N, jnp.int32)]).reshape(NW, NB, LANE)
    pad2 = E_PAD2 - E
    edges_d = jnp.stack([
        jnp.concatenate([src, jnp.full((pad2,), N, jnp.int32)]),
        jnp.concatenate([dst, jnp.full((pad2,), N, jnp.int32)]),
    ]).reshape(2, NS, NB2, LANE)

    deg = _deg_kernel(edges_d)

    xs = _scale_call(feat, deg)
    p = _spmm_kernel(xs, src_g, dst_p)
    z = _mid_call(p, deg, W1, b1.reshape(1, D1), W2)
    q = _spmm_kernel(z, src_g, dst_p)
    return _final_call(q, deg, b2.reshape(1, D0))

# --- scband reference (transcript-rebuilt; emitter-appended) ---
"""Pipeline reference for scband-gcn-72602127172110 (READ-ONLY COPY).

The authoritative reference and input builder live on the scoring server;
editing this copy changes nothing except your own understanding.
"""

import jax, jax.numpy as jnp
import numpy as np

N = 10000
E = 320000
D_IN = 128
D_HID = 256  # n_out_feats * 2
D_OUT = 128


def setup_inputs(seed: int = 0) -> dict:
    key = jax.random.key(seed)
    k1, k2, k3, k4, k5, k6 = jax.random.split(key, 6)
    feat = jax.random.normal(k1, (N, D_IN), dtype=jnp.float32)
    edge_index = jax.random.randint(k2, (2, E), 0, N, dtype=jnp.int32)
    W1 = jax.random.normal(k3, (D_IN, D_HID), dtype=jnp.float32) * (1.0 / np.sqrt(D_IN))
    b1 = jnp.zeros((D_HID,), dtype=jnp.float32)
    W2 = jax.random.normal(k4, (D_HID, D_OUT), dtype=jnp.float32) * (1.0 / np.sqrt(D_HID))
    b2 = jnp.zeros((D_OUT,), dtype=jnp.float32)
    return {"feat": feat, "edge_index": edge_index, "W1": W1, "b1": b1, "W2": W2, "b2": b2}


def _gcn_layer(x, src, dst, norm_src, norm_dst, W, b):
    # GraphConv with norm='both': h = D_in^{-1/2} A D_out^{-1/2} X W + b, then activation
    h = x * norm_src[:, None]
    h = h @ W
    msg = h[src]  # gather from source nodes (SparseCore gather)
    agg = jnp.zeros((N, h.shape[1]), dtype=h.dtype).at[dst].add(msg)  # scatter-add
    agg = agg * norm_dst[:, None]
    return jax.nn.relu(agg + b)


def reference(feat, edge_index, W1, b1, W2, b2):
    src = edge_index[0]
    dst = edge_index[1]
    ones = jnp.ones((E,), dtype=jnp.float32)
    deg_out = jnp.zeros((N,), dtype=jnp.float32).at[src].add(ones)
    deg_in = jnp.zeros((N,), dtype=jnp.float32).at[dst].add(ones)
    norm_src = jnp.power(jnp.clip(deg_out, 1.0, None), -0.5)
    norm_dst = jnp.power(jnp.clip(deg_in, 1.0, None), -0.5)
    h = _gcn_layer(feat, src, dst, norm_src, norm_dst, W1, b1)   # input layer 128 -> 256
    out = _gcn_layer(h, src, dst, norm_src, norm_dst, W2, b2)    # output layer 256 -> 128
    return out

if __name__ == "__main__":
    import jax
    _d = setup_inputs()
    print(jax.jit(kernel)(*tuple(_d.values())))

</pallas_src>

<mosaic_0001>
#map = affine_map<(d0, d1) -> (0, 0)>
#map1 = affine_map<(d0, d1) -> (0, 0, 0)>
module attributes {stable_mosaic.version = 14 : i64} {
  func.func @_spmm_kernel(%arg0: i32, %arg1: i32, %arg2: memref<10000x128xf32, #tpu.memory_space<hbm>>, %arg3: memref<32x79x128xi32, #tpu.memory_space<hbm>>, %arg4: memref<32x79x128xi32, #tpu.memory_space<hbm>>, %arg5: memref<2x10240x128xf32, #tpu.memory_space<hbm>>, %arg6: memref<79x128xi32, #tpu.memory_space<vmem>>, %arg7: memref<79x128xi32, #tpu.memory_space<vmem>>, %arg8: memref<128x128xf32, #tpu.memory_space<vmem>>, %arg9: memref<64x128xf32, #tpu.memory_space<vmem>>, %arg10: memref<10240x128xf32, #tpu.memory_space<vmem_shared>>, %arg11: memref<!tpu.dma_semaphore, #tpu.memory_space<semaphore_mem>>) attributes {dimension_semantics = [#tpu.dimension_semantics<core_parallel>, #tpu.dimension_semantics<subcore_parallel>], iteration_bounds = array<i64: 2, 16>, scalar_prefetch = 0 : i64, scratch_operands = 6 : i64, tpu.core_type = #tpu.core_type<sc_vector_subcore>, window_params = [{transform_indices = #map}, {transform_indices = #map1}, {transform_indices = #map1}, {transform_indices = #map1}]} {
    %mul3A = arith.constant 16 : i32
    %mul3A_0 = arith.muli %arg0, %mul3A : i32
    %add3A = arith.addi %mul3A_0, %arg1 : i32
    %mul3A_1 = arith.constant 640 : i32
    %mul3A_2 = arith.muli %arg1, %mul3A_1 : i32
    %scan3A = arith.constant 0 : i32
    %scan3A_3 = arith.constant 0 : i32
    %scan3A_4 = arith.constant 64 : i32
    %scan3A_5 = arith.addi %scan3A_3, %scan3A_4 : i32
    %scan3A_6 = arith.constant 1 : i32
    %scan3A_7 = scf.for %scan3A_37 = %scan3A_3 to %scan3A_5 step %scan3A_6 iter_args(%scan3A_38 = %scan3A) -> (i32)  : i32 {
      %broadcast_in_dim3A = arith.constant 0.000000e+00 : f32
      %broadcast_in_dim3A_39 = vector.broadcast %broadcast_in_dim3A : f32 to vector<16xf32>
      %swap3A = arith.index_cast %scan3A_37 : i32 to index
      %swap3A_40 = arith.constant 0 : index
      %swap3A_41 = tpu.vector_load %arg9[%swap3A, %swap3A_40] {strides = array<i32>} : memref<64x128xf32, #tpu.memory_space<vmem>>, vector<1x16xf32>,
      %swap3A_42 = vector.shape_cast %swap3A_41 : vector<1x16xf32> to vector<16xf32>
      %swap3A_43 = vector.shape_cast %broadcast_in_dim3A_39 : vector<16xf32> to vector<1x16xf32>
      tpu.vector_store %arg9[%swap3A, %swap3A_40], %swap3A_43 {strides = array<i32>} : memref<64x128xf32, #tpu.memory_space<vmem>>, vector<1x16xf32>,
      %broadcast_in_dim3A_44 = arith.constant 0.000000e+00 : f32
      %broadcast_in_dim3A_45 = vector.broadcast %broadcast_in_dim3A_44 : f32 to vector<16xf32>
      %swap3A_46 = arith.index_cast %scan3A_37 : i32 to index
      %swap3A_47 = arith.constant 16 : index
      %swap3A_48 = tpu.vector_load %arg9[%swap3A_46, %swap3A_47] {strides = array<i32>} : memref<64x128xf32, #tpu.memory_space<vmem>>, vector<1x16xf32>,
      %swap3A_49 = vector.shape_cast %swap3A_48 : vector<1x16xf32> to vector<16xf32>
      %swap3A_50 = vector.shape_cast %broadcast_in_dim3A_45 : vector<16xf32> to vector<1x16xf32>
      tpu.vector_store %arg9[%swap3A_46, %swap3A_47], %swap3A_50 {strides = array<i32>} : memref<64x128xf32, #tpu.memory_space<vmem>>, vector<1x16xf32>,
      %broadcast_in_dim3A_51 = arith.constant 0.000000e+00 : f32
      %broadcast_in_dim3A_52 = vector.broadcast %broadcast_in_dim3A_51 : f32 to vector<16xf32>
      %swap3A_53 = arith.index_cast %scan3A_37 : i32 to index
      %swap3A_54 = arith.constant 32 : index
      %swap3A_55 = tpu.vector_load %arg9[%swap3A_53, %swap3A_54] {strides = array<i32>} : memref<64x128xf32, #tpu.memory_space<vmem>>, vector<1x16xf32>,
      %swap3A_56 = vector.shape_cast %swap3A_55 : vector<1x16xf32> to vector<16xf32>
      %swap3A_57 = vector.shape_cast %broadcast_in_dim3A_52 : vector<16xf32> to vector<1x16xf32>
      tpu.vector_store %arg9[%swap3A_53, %swap3A_54], %swap3A_57 {strides = array<i32>} : memref<64x128xf32, #tpu.memory_space<vmem>>, vector<1x16xf32>,
      %broadcast_in_dim3A_58 = arith.constant 0.000000e+00 : f32
      %broadcast_in_dim3A_59 = vector.broadcast %broadcast_in_dim3A_58 : f32 to vector<16xf32>
      %swap3A_60 = arith.index_cast %scan3A_37 : i32 to index
      %swap3A_61 = arith.constant 48 : index
      %swap3A_62 = tpu.vector_load %arg9[%swap3A_60, %swap3A_61] {strides = array<i32>} : memref<64x128xf32, #tpu.memory_space<vmem>>, vector<1x16xf32>,
      %swap3A_63 = vector.shape_cast %swap3A_62 : vector<1x16xf32> to vector<16xf32>
      %swap3A_64 = vector.shape_cast %broadcast_in_dim3A_59 : vector<16xf32> to vector<1x16xf32>
      tpu.vector_store %arg9[%swap3A_60, %swap3A_61], %swap3A_64 {strides = array<i32>} : memref<64x128xf32, #tpu.memory_space<vmem>>, vector<1x16xf32>,
      %broadcast_in_dim3A_65 = arith.constant 0.000000e+00 : f32
      %broadcast_in_dim3A_66 = vector.broadcast %broadcast_in_dim3A_65 : f32 to vector<16xf32>
      %swap3A_67 = arith.index_cast %scan3A_37 : i32 to index
      %swap3A_68 = arith.constant 64 : index
      %swap3A_69 = tpu.vector_load %arg9[%swap3A_67, %swap3A_68] {strides = array<i32>} : memref<64x128xf32, #tpu.memory_space<vmem>>, vector<1x16xf32>,
      %swap3A_70 = vector.shape_cast %swap3A_69 : vector<1x16xf32> to vector<16xf32>
      %swap3A_71 = vector.shape_cast %broadcast_in_dim3A_66 : vector<16xf32> to vector<1x16xf32>
      tpu.vector_store %arg9[%swap3A_67, %swap3A_68], %swap3A_71 {strides = array<i32>} : memref<64x128xf32, #tpu.memory_space<vmem>>, vector<1x16xf32>,
      %broadcast_in_dim3A_72 = arith.constant 0.000000e+00 : f32
      %broadcast_in_dim3A_73 = vector.broadcast %broadcast_in_dim3A_72 : f32 to vector<16xf32>
      %swap3A_74 = arith.index_cast %scan3A_37 : i32 to index
      %swap3A_75 = arith.constant 80 : index
      %swap3A_76 = tpu.vector_load %arg9[%swap3A_74, %swap3A_75] {strides = array<i32>} : memref<64x128xf32, #tpu.memory_space<vmem>>, vector<1x16xf32>,
      %swap3A_77 = vector.shape_cast %swap3A_76 : vector<1x16xf32> to vector<16xf32>
      %swap3A_78 = vector.shape_cast %broadcast_in_dim3A_73 : vector<16xf32> to vector<1x16xf32>
      tpu.vector_store %arg9[%swap3A_74, %swap3A_75], %swap3A_78 {strides = array<i32>} : memref<64x128xf32, #tpu.memory_space<vmem>>, vector<1x16xf32>,
      %broadcast_in_dim3A_79 = arith.constant 0.000000e+00 : f32
      %broadcast_in_dim3A_80 = vector.broadcast %broadcast_in_dim3A_79 : f32 to vector<16xf32>
      %swap3A_81 = arith.index_cast %scan3A_37 : i32 to index
      %swap3A_82 = arith.constant 96 : index
      %swap3A_83 = tpu.vector_load %arg9[%swap3A_81, %swap3A_82] {strides = array<i32>} : memref<64x128xf32, #tpu.memory_space<vmem>>, vector<1x16xf32>,
      %swap3A_84 = vector.shape_cast %swap3A_83 : vector<1x16xf32> to vector<16xf32>
      %swap3A_85 = vector.shape_cast %broadcast_in_dim3A_80 : vector<16xf32> to vector<1x16xf32>
      tpu.vector_store %arg9[%swap3A_81, %swap3A_82], %swap3A_85 {strides = array<i32>} : memref<64x128xf32, #tpu.memory_space<vmem>>, vector<1x16xf32>,
      %broadcast_in_dim3A_86 = arith.constant 0.000000e+00 : f32
      %broadcast_in_dim3A_87 = vector.broadcast %broadcast_in_dim3A_86 : f32 to vector<16xf32>
      %swap3A_88 = arith.index_cast %scan3A_37 : i32 to index
      %swap3A_89 = arith.constant 112 : index
      %swap3A_90 = tpu.vector_load %arg9[%swap3A_88, %swap3A_89] {strides = array<i32>} : memref<64x128xf32, #tpu.memory_space<vmem>>, vector<1x16xf32>,
      %swap3A_91 = vector.shape_cast %swap3A_90 : vector<1x16xf32> to vector<16xf32>
      %swap3A_92 = vector.shape_cast %broadcast_in_dim3A_87 : vector<16xf32> to vector<1x16xf32>
      tpu.vector_store %arg9[%swap3A_88, %swap3A_89], %swap3A_92 {strides = array<i32>} : memref<64x128xf32, #tpu.memory_space<vmem>>, vector<1x16xf32>,
      %scan3A_93 = arith.constant 0 : i32
      scf.yield %scan3A_93 : i32
    }
    %scan3A_8 = arith.constant 64 : i32
    %add3A_9 = arith.constant 0 : i32
    %add3A_10 = arith.addi %mul3A_2, %add3A_9 : i32
    "tpu.region"() ({
      %run_scoped3A = tpu.sem_alloc : memref<!tpu.dma_semaphore, #tpu.memory_space<semaphore_mem>>
      %dma_start3A = arith.constant 0 : i32
      %dma_start3A_37 = tpu.memref_slice %arg10[%add3A_10, %dma_start3A] : memref<10240x128xf32, #tpu.memory_space<vmem_shared>> -> memref<64x128xf32, #tpu.memory_space<vmem_shared>>
      %dma_start3A_38 = arith.constant 0 : i32
      %dma_start3A_39 = tpu.memref_slice %arg10[%add3A_10, %dma_start3A_38] : memref<10240x128xf32, #tpu.memory_space<vmem_shared>> -> memref<64x128xf32, #tpu.memory_space<vmem_shared>>
      tpu.enqueue_dma source(%arg9 : memref<64x128xf32, #tpu.memory_space<vmem>>) target(%dma_start3A_39 : memref<64x128xf32, #tpu.memory_space<vmem_shared>>) target_semaphore(%run_scoped3A : memref<!tpu.dma_semaphore, #tpu.memory_space<semaphore_mem>>)
      %dma_wait3A = arith.constant 0 : i32
      %dma_wait3A_40 = tpu.memref_slice %arg10[%add3A_10, %dma_wait3A] : memref<10240x128xf32, #tpu.memory_space<vmem_shared>> -> memref<64x128xf32, #tpu.memory_space<vmem_shared>>
      %dma_wait3A_41 = arith.constant 0 : i32
      %dma_wait3A_42 = tpu.memref_slice %arg10[%add3A_10, %dma_wait3A_41] : memref<10240x128xf32, #tpu.memory_space<vmem_shared>> -> memref<64x128xf32, #tpu.memory_space<vmem_shared>>
      tpu.wait_dma2 semaphore(%run_scoped3A : memref<!tpu.dma_semaphore, #tpu.memory_space<semaphore_mem>>) src(%arg9 : memref<64x128xf32, #tpu.memory_space<vmem>>) dst(%dma_wait3A_42 : memref<64x128xf32, #tpu.memory_space<vmem_shared>>)
      tpu.yield
    }) : () -> ()
    %add3A_11 = arith.constant 64 : i32
    %add3A_12 = arith.addi %mul3A_2, %add3A_11 : i32
    "tpu.region"() ({
      %run_scoped3A = tpu.sem_alloc : memref<!tpu.dma_semaphore, #tpu.memory_space<semaphore_mem>>
      %dma_start3A = arith.constant 0 : i32
      %dma_start3A_37 = tpu.memref_slice %arg10[%add3A_12, %dma_start3A] : memref<10240x128xf32, #tpu.memory_space<vmem_shared>> -> memref<64x128xf32, #tpu.memory_space<vmem_shared>>
      %dma_start3A_38 = arith.constant 0 : i32
      %dma_start3A_39 = tpu.memref_slice %arg10[%add3A_12, %dma_start3A_38] : memref<10240x128xf32, #tpu.memory_space<vmem_shared>> -> memref<64x128xf32, #tpu.memory_space<vmem_shared>>
      tpu.enqueue_dma source(%arg9 : memref<64x128xf32, #tpu.memory_space<vmem>>) target(%dma_start3A_39 : memref<64x128xf32, #tpu.memory_space<vmem_shared>>) target_semaphore(%run_scoped3A : memref<!tpu.dma_semaphore, #tpu.memory_space<semaphore_mem>>)
      %dma_wait3A = arith.constant 0 : i32
      %dma_wait3A_40 = tpu.memref_slice %arg10[%add3A_12, %dma_wait3A] : memref<10240x128xf32, #tpu.memory_space<vmem_shared>> -> memref<64x128xf32, #tpu.memory_space<vmem_shared>>
      %dma_wait3A_41 = arith.constant 0 : i32
      %dma_wait3A_42 = tpu.memref_slice %arg10[%add3A_12, %dma_wait3A_41] : memref<10240x128xf32, #tpu.memory_space<vmem_shared>> -> memref<64x128xf32, #tpu.memory_space<vmem_shared>>
      tpu.wait_dma2 semaphore(%run_scoped3A : memref<!tpu.dma_semaphore, #tpu.memory_space<semaphore_mem>>) src(%arg9 : memref<64x128xf32, #tpu.memory_space<vmem>>) dst(%dma_wait3A_42 : memref<64x128xf32, #tpu.memory_space<vmem_shared>>)
      tpu.yield
    }) : () -> ()
    %add3A_13 = arith.constant 128 : i32
    %add3A_14 = arith.addi %mul3A_2, %add3A_13 : i32
    "tpu.region"() ({
      %run_scoped3A = tpu.sem_alloc : memref<!tpu.dma_semaphore, #tpu.memory_space<semaphore_mem>>
      %dma_start3A = arith.constant 0 : i32
      %dma_start3A_37 = tpu.memref_slice %arg10[%add3A_14, %dma_start3A] : memref<10240x128xf32, #tpu.memory_space<vmem_shared>> -> memref<64x128xf32, #tpu.memory_space<vmem_shared>>
      %dma_start3A_38 = arith.constant 0 : i32
      %dma_start3A_39 = tpu.memref_slice %arg10[%add3A_14, %dma_start3A_38] : memref<10240x128xf32, #tpu.memory_space<vmem_shared>> -> memref<64x128xf32, #tpu.memory_space<vmem_shared>>
      tpu.enqueue_dma source(%arg9 : memref<64x128xf32, #tpu.memory_space<vmem>>) target(%dma_start3A_39 : memref<64x128xf32, #tpu.memory_space<vmem_shared>>) target_semaphore(%run_scoped3A : memref<!tpu.dma_semaphore, #tpu.memory_space<semaphore_mem>>)
      %dma_wait3A = arith.constant 0 : i32
      %dma_wait3A_40 = tpu.memref_slice %arg10[%add3A_14, %dma_wait3A] : memref<10240x128xf32, #tpu.memory_space<vmem_shared>> -> memref<64x128xf32, #tpu.memory_space<vmem_shared>>
      %dma_wait3A_41 = arith.constant 0 : i32
      %dma_wait3A_42 = tpu.memref_slice %arg10[%add3A_14, %dma_wait3A_41] : memref<10240x128xf32, #tpu.memory_space<vmem_shared>> -> memref<64x128xf32, #tpu.memory_space<vmem_shared>>
      tpu.wait_dma2 semaphore(%run_scoped3A : memref<!tpu.dma_semaphore, #tpu.memory_space<semaphore_mem>>) src(%arg9 : memref<64x128xf32, #tpu.memory_space<vmem>>) dst(%dma_wait3A_42 : memref<64x128xf32, #tpu.memory_space<vmem_shared>>)
      tpu.yield
    }) : () -> ()
    %add3A_15 = arith.constant 192 : i32
    %add3A_16 = arith.addi %mul3A_2, %add3A_15 : i32
    "tpu.region"() ({
      %run_scoped3A = tpu.sem_alloc : memref<!tpu.dma_semaphore, #tpu.memory_space<semaphore_mem>>
      %dma_start3A = arith.constant 0 : i32
      %dma_start3A_37 = tpu.memref_slice %arg10[%add3A_16, %dma_start3A] : memref<10240x128xf32, #tpu.memory_space<vmem_shared>> -> memref<64x128xf32, #tpu.memory_space<vmem_shared>>
      %dma_start3A_38 = arith.constant 0 : i32
      %dma_start3A_39 = tpu.memref_slice %arg10[%add3A_16, %dma_start3A_38] : memref<10240x128xf32, #tpu.memory_space<vmem_shared>> -> memref<64x128xf32, #tpu.memory_space<vmem_shared>>
      tpu.enqueue_dma source(%arg9 : memref<64x128xf32, #tpu.memory_space<vmem>>) target(%dma_start3A_39 : memref<64x128xf32, #tpu.memory_space<vmem_shared>>) target_semaphore(%run_scoped3A : memref<!tpu.dma_semaphore, #tpu.memory_space<semaphore_mem>>)
      %dma_wait3A = arith.constant 0 : i32
      %dma_wait3A_40 = tpu.memref_slice %arg10[%add3A_16, %dma_wait3A] : memref<10240x128xf32, #tpu.memory_space<vmem_shared>> -> memref<64x128xf32, #tpu.memory_space<vmem_shared>>
      %dma_wait3A_41 = arith.constant 0 : i32
      %dma_wait3A_42 = tpu.memref_slice %arg10[%add3A_16, %dma_wait3A_41] : memref<10240x128xf32, #tpu.memory_space<vmem_shared>> -> memref<64x128xf32, #tpu.memory_space<vmem_shared>>
      tpu.wait_dma2 semaphore(%run_scoped3A : memref<!tpu.dma_semaphore, #tpu.memory_space<semaphore_mem>>) src(%arg9 : memref<64x128xf32, #tpu.memory_space<vmem>>) dst(%dma_wait3A_42 : memref<64x128xf32, #tpu.memory_space<vmem_shared>>)
      tpu.yield
    }) : () -> ()
    %add3A_17 = arith.constant 256 : i32
    %add3A_18 = arith.addi %mul3A_2, %add3A_17 : i32
    "tpu.region"() ({
      %run_scoped3A = tpu.sem_alloc : memref<!tpu.dma_semaphore, #tpu.memory_space<semaphore_mem>>
      %dma_start3A = arith.constant 0 : i32
      %dma_start3A_37 = tpu.memref_slice %arg10[%add3A_18, %dma_start3A] : memref<10240x128xf32, #tpu.memory_space<vmem_shared>> -> memref<64x128xf32, #tpu.memory_space<vmem_shared>>
      %dma_start3A_38 = arith.constant 0 : i32
      %dma_start3A_39 = tpu.memref_slice %arg10[%add3A_18, %dma_start3A_38] : memref<10240x128xf32, #tpu.memory_space<vmem_shared>> -> memref<64x128xf32, #tpu.memory_space<vmem_shared>>
      tpu.enqueue_dma source(%arg9 : memref<64x128xf32, #tpu.memory_space<vmem>>) target(%dma_start3A_39 : memref<64x128xf32, #tpu.memory_space<vmem_shared>>) target_semaphore(%run_scoped3A : memref<!tpu.dma_semaphore, #tpu.memory_space<semaphore_mem>>)
      %dma_wait3A = arith.constant 0 : i32
      %dma_wait3A_40 = tpu.memref_slice %arg10[%add3A_18, %dma_wait3A] : memref<10240x128xf32, #tpu.memory_space<vmem_shared>> -> memref<64x128xf32, #tpu.memory_space<vmem_shared>>
      %dma_wait3A_41 = arith.constant 0 : i32
      %dma_wait3A_42 = tpu.memref_slice %arg10[%add3A_18, %dma_wait3A_41] : memref<10240x128xf32, #tpu.memory_space<vmem_shared>> -> memref<64x128xf32, #tpu.memory_space<vmem_shared>>
      tpu.wait_dma2 semaphore(%run_scoped3A : memref<!tpu.dma_semaphore, #tpu.memory_space<semaphore_mem>>) src(%arg9 : memref<64x128xf32, #tpu.memory_space<vmem>>) dst(%dma_wait3A_42 : memref<64x128xf32, #tpu.memory_space<vmem_shared>>)
      tpu.yield
    }) : () -> ()
    %add3A_19 = arith.constant 320 : i32
    %add3A_20 = arith.addi %mul3A_2, %add3A_19 : i32
    "tpu.region"() ({
      %run_scoped3A = tpu.sem_alloc : memref<!tpu.dma_semaphore, #tpu.memory_space<semaphore_mem>>
      %dma_start3A = arith.constant 0 : i32
      %dma_start3A_37 = tpu.memref_slice %arg10[%add3A_20, %dma_start3A] : memref<10240x128xf32, #tpu.memory_space<vmem_shared>> -> memref<64x128xf32, #tpu.memory_space<vmem_shared>>
      %dma_start3A_38 = arith.constant 0 : i32
      %dma_start3A_39 = tpu.memref_slice %arg10[%add3A_20, %dma_start3A_38] : memref<10240x128xf32, #tpu.memory_space<vmem_shared>> -> memref<64x128xf32, #tpu.memory_space<vmem_shared>>
      tpu.enqueue_dma source(%arg9 : memref<64x128xf32, #tpu.memory_space<vmem>>) target(%dma_start3A_39 : memref<64x128xf32, #tpu.memory_space<vmem_shared>>) target_semaphore(%run_scoped3A : memref<!tpu.dma_semaphore, #tpu.memory_space<semaphore_mem>>)
      %dma_wait3A = arith.constant 0 : i32
      %dma_wait3A_40 = tpu.memref_slice %arg10[%add3A_20, %dma_wait3A] : memref<10240x128xf32, #tpu.memory_space<vmem_shared>> -> memref<64x128xf32, #tpu.memory_space<vmem_shared>>
      %dma_wait3A_41 = arith.constant 0 : i32
      %dma_wait3A_42 = tpu.memref_slice %arg10[%add3A_20, %dma_wait3A_41] : memref<10240x128xf32, #tpu.memory_space<vmem_shared>> -> memref<64x128xf32, #tpu.memory_space<vmem_shared>>
      tpu.wait_dma2 semaphore(%run_scoped3A : memref<!tpu.dma_semaphore, #tpu.memory_space<semaphore_mem>>) src(%arg9 : memref<64x128xf32, #tpu.memory_space<vmem>>) dst(%dma_wait3A_42 : memref<64x128xf32, #tpu.memory_space<vmem_shared>>)
      tpu.yield
    }) : () -> ()
    %add3A_21 = arith.constant 384 : i32
    %add3A_22 = arith.addi %mul3A_2, %add3A_21 : i32
    "tpu.region"() ({
      %run_scoped3A = tpu.sem_alloc : memref<!tpu.dma_semaphore, #tpu.memory_space<semaphore_mem>>
      %dma_start3A = arith.constant 0 : i32
      %dma_start3A_37 = tpu.memref_slice %arg10[%add3A_22, %dma_start3A] : memref<10240x128xf32, #tpu.memory_space<vmem_shared>> -> memref<64x128xf32, #tpu.memory_space<vmem_shared>>
      %dma_start3A_38 = arith.constant 0 : i32
      %dma_start3A_39 = tpu.memref_slice %arg10[%add3A_22, %dma_start3A_38] : memref<10240x128xf32, #tpu.memory_space<vmem_shared>> -> memref<64x128xf32, #tpu.memory_space<vmem_shared>>
      tpu.enqueue_dma source(%arg9 : memref<64x128xf32, #tpu.memory_space<vmem>>) target(%dma_start3A_39 : memref<64x128xf32, #tpu.memory_space<vmem_shared>>) target_semaphore(%run_scoped3A : memref<!tpu.dma_semaphore, #tpu.memory_space<semaphore_mem>>)
      %dma_wait3A = arith.constant 0 : i32
      %dma_wait3A_40 = tpu.memref_slice %arg10[%add3A_22, %dma_wait3A] : memref<10240x128xf32, #tpu.memory_space<vmem_shared>> -> memref<64x128xf32, #tpu.memory_space<vmem_shared>>
      %dma_wait3A_41 = arith.constant 0 : i32
      %dma_wait3A_42 = tpu.memref_slice %arg10[%add3A_22, %dma_wait3A_41] : memref<10240x128xf32, #tpu.memory_space<vmem_shared>> -> memref<64x128xf32, #tpu.memory_space<vmem_shared>>
      tpu.wait_dma2 semaphore(%run_scoped3A : memref<!tpu.dma_semaphore, #tpu.memory_space<semaphore_mem>>) src(%arg9 : memref<64x128xf32, #tpu.memory_space<vmem>>) dst(%dma_wait3A_42 : memref<64x128xf32, #tpu.memory_space<vmem_shared>>)
      tpu.yield
    }) : () -> ()
    %add3A_23 = arith.constant 448 : i32
    %add3A_24 = arith.addi %mul3A_2, %add3A_23 : i32
    "tpu.region"() ({
      %run_scoped3A = tpu.sem_alloc : memref<!tpu.dma_semaphore, #tpu.memory_space<semaphore_mem>>
      %dma_start3A = arith.constant 0 : i32
      %dma_start3A_37 = tpu.memref_slice %arg10[%add3A_24, %dma_start3A] : memref<10240x128xf32, #tpu.memory_space<vmem_shared>> -> memref<64x128xf32, #tpu.memory_space<vmem_shared>>
      %dma_start3A_38 = arith.constant 0 : i32
      %dma_start3A_39 = tpu.memref_slice %arg10[%add3A_24, %dma_start3A_38] : memref<10240x128xf32, #tpu.memory_space<vmem_shared>> -> memref<64x128xf32, #tpu.memory_space<vmem_shared>>
      tpu.enqueue_dma source(%arg9 : memref<64x128xf32, #tpu.memory_space<vmem>>) target(%dma_start3A_39 : memref<64x128xf32, #tpu.memory_space<vmem_shared>>) target_semaphore(%run_scoped3A : memref<!tpu.dma_semaphore, #tpu.memory_space<semaphore_mem>>)
      %dma_wait3A = arith.constant 0 : i32
      %dma_wait3A_40 = tpu.memref_slice %arg10[%add3A_24, %dma_wait3A] : memref<10240x128xf32, #tpu.memory_space<vmem_shared>> -> memref<64x128xf32, #tpu.memory_space<vmem_shared>>
      %dma_wait3A_41 = arith.constant 0 : i32
      %dma_wait3A_42 = tpu.memref_slice %arg10[%add3A_24, %dma_wait3A_41] : memref<10240x128xf32, #tpu.memory_space<vmem_shared>> -> memref<64x128xf32, #tpu.memory_space<vmem_shared>>
      tpu.wait_dma2 semaphore(%run_scoped3A : memref<!tpu.dma_semaphore, #tpu.memory_space<semaphore_mem>>) src(%arg9 : memref<64x128xf32, #tpu.memory_space<vmem>>) dst(%dma_wait3A_42 : memref<64x128xf32, #tpu.memory_space<vmem_shared>>)
      tpu.yield
    }) : () -> ()
    %add3A_25 = arith.constant 512 : i32
    %add3A_26 = arith.addi %mul3A_2, %add3A_25 : i32
    "tpu.region"() ({
      %run_scoped3A = tpu.sem_alloc : memref<!tpu.dma_semaphore, #tpu.memory_space<semaphore_mem>>
      %dma_start3A = arith.constant 0 : i32
      %dma_start3A_37 = tpu.memref_slice %arg10[%add3A_26, %dma_start3A] : memref<10240x128xf32, #tpu.memory_space<vmem_shared>> -> memref<64x128xf32, #tpu.memory_space<vmem_shared>>
      %dma_start3A_38 = arith.constant 0 : i32
      %dma_start3A_39 = tpu.memref_slice %arg10[%add3A_26, %dma_start3A_38] : memref<10240x128xf32, #tpu.memory_space<vmem_shared>> -> memref<64x128xf32, #tpu.memory_space<vmem_shared>>
      tpu.enqueue_dma source(%arg9 : memref<64x128xf32, #tpu.memory_space<vmem>>) target(%dma_start3A_39 : memref<64x128xf32, #tpu.memory_space<vmem_shared>>) target_semaphore(%run_scoped3A : memref<!tpu.dma_semaphore, #tpu.memory_space<semaphore_mem>>)
      %dma_wait3A = arith.constant 0 : i32
      %dma_wait3A_40 = tpu.memref_slice %arg10[%add3A_26, %dma_wait3A] : memref<10240x128xf32, #tpu.memory_space<vmem_shared>> -> memref<64x128xf32, #tpu.memory_space<vmem_shared>>
      %dma_wait3A_41 = arith.constant 0 : i32
      %dma_wait3A_42 = tpu.memref_slice %arg10[%add3A_26, %dma_wait3A_41] : memref<10240x128xf32, #tpu.memory_space<vmem_shared>> -> memref<64x128xf32, #tpu.memory_space<vmem_shared>>
      tpu.wait_dma2 semaphore(%run_scoped3A : memref<!tpu.dma_semaphore, #tpu.memory_space<semaphore_mem>>) src(%arg9 : memref<64x128xf32, #tpu.memory_space<vmem>>) dst(%dma_wait3A_42 : memref<64x128xf32, #tpu.memory_space<vmem_shared>>)
      tpu.yield
    }) : () -> ()
    %add3A_27 = arith.constant 576 : i32
    %add3A_28 = arith.addi %mul3A_2, %add3A_27 : i32
    "tpu.region"() ({
      %run_scoped3A = tpu.sem_alloc : memref<!tpu.dma_semaphore, #tpu.memory_space<semaphore_mem>>
      %dma_start3A = arith.constant 0 : i32
      %dma_start3A_37 = tpu.memref_slice %arg10[%add3A_28, %dma_start3A] : memref<10240x128xf32, #tpu.memory_space<vmem_shared>> -> memref<64x128xf32, #tpu.memory_space<vmem_shared>>
      %dma_start3A_38 = arith.constant 0 : i32
      %dma_start3A_39 = tpu.memref_slice %arg10[%add3A_28, %dma_start3A_38] : memref<10240x128xf32, #tpu.memory_space<vmem_shared>> -> memref<64x128xf32, #tpu.memory_space<vmem_shared>>
      tpu.enqueue_dma source(%arg9 : memref<64x128xf32, #tpu.memory_space<vmem>>) target(%dma_start3A_39 : memref<64x128xf32, #tpu.memory_space<vmem_shared>>) target_semaphore(%run_scoped3A : memref<!tpu.dma_semaphore, #tpu.memory_space<semaphore_mem>>)
      %dma_wait3A = arith.constant 0 : i32
      %dma_wait3A_40 = tpu.memref_slice %arg10[%add3A_28, %dma_wait3A] : memref<10240x128xf32, #tpu.memory_space<vmem_shared>> -> memref<64x128xf32, #tpu.memory_space<vmem_shared>>
      %dma_wait3A_41 = arith.constant 0 : i32
      %dma_wait3A_42 = tpu.memref_slice %arg10[%add3A_28, %dma_wait3A_41] : memref<10240x128xf32, #tpu.memory_space<vmem_shared>> -> memref<64x128xf32, #tpu.memory_space<vmem_shared>>
      tpu.wait_dma2 semaphore(%run_scoped3A : memref<!tpu.dma_semaphore, #tpu.memory_space<semaphore_mem>>) src(%arg9 : memref<64x128xf32, #tpu.memory_space<vmem>>) dst(%dma_wait3A_42 : memref<64x128xf32, #tpu.memory_space<vmem_shared>>)
      tpu.yield
    }) : () -> ()
    "tpu.region"() ({
      %run_scoped3A = tpu.sem_alloc : memref<!tpu.dma_semaphore, #tpu.memory_space<semaphore_mem>>
      %dma_start3A = arith.constant 0 : i32
      %dma_start3A_37 = arith.constant 0 : i32
      %dma_start3A_38 = tpu.memref_slice %arg3[%add3A, %dma_start3A, %dma_start3A_37] : memref<32x79x128xi32, #tpu.memory_space<hbm>> -> memref<1x79x128xi32, #tpu.memory_space<hbm>>
      %dma_start3A_39 = tpu.memref_squeeze %dma_start3A_38 : memref<1x79x128xi32, #tpu.memory_space<hbm>> -> memref<79x128xi32, #tpu.memory_space<hbm>>
      %dma_start3A_40 = arith.constant 0 : i32
      %dma_start3A_41 = arith.constant 0 : i32
      %dma_start3A_42 = tpu.memref_slice %arg3[%add3A, %dma_start3A_40, %dma_start3A_41] : memref<32x79x128xi32, #tpu.memory_space<hbm>> -> memref<1x79x128xi32, #tpu.memory_space<hbm>>
      %dma_start3A_43 = tpu.memref_squeeze %dma_start3A_42 : memref<1x79x128xi32, #tpu.memory_space<hbm>> -> memref<79x128xi32, #tpu.memory_space<hbm>>
      tpu.enqueue_dma source(%dma_start3A_43 : memref<79x128xi32, #tpu.memory_space<hbm>>) target(%arg6 : memref<79x128xi32, #tpu.memory_space<vmem>>) target_semaphore(%run_scoped3A : memref<!tpu.dma_semaphore, #tpu.memory_space<semaphore_mem>>)
      %dma_wait3A = arith.constant 0 : i32
      %dma_wait3A_44 = arith.constant 0 : i32
      %dma_wait3A_45 = tpu.memref_slice %arg3[%add3A, %dma_wait3A, %dma_wait3A_44] : memref<32x79x128xi32, #tpu.memory_space<hbm>> -> memref<1x79x128xi32, #tpu.memory_space<hbm>>
      %dma_wait3A_46 = tpu.memref_squeeze %dma_wait3A_45 : memref<1x79x128xi32, #tpu.memory_space<hbm>> -> memref<79x128xi32, #tpu.memory_space<hbm>>
      %dma_wait3A_47 = arith.constant 0 : i32
      %dma_wait3A_48 = arith.constant 0 : i32
      %dma_wait3A_49 = tpu.memref_slice %arg3[%add3A, %dma_wait3A_47, %dma_wait3A_48] : memref<32x79x128xi32, #tpu.memory_space<hbm>> -> memref<1x79x128xi32, #tpu.memory_space<hbm>>
      %dma_wait3A_50 = tpu.memref_squeeze %dma_wait3A_49 : memref<1x79x128xi32, #tpu.memory_space<hbm>> -> memref<79x128xi32, #tpu.memory_space<hbm>>
      tpu.wait_dma2 semaphore(%run_scoped3A : memref<!tpu.dma_semaphore, #tpu.memory_space<semaphore_mem>>) src(%dma_wait3A_50 : memref<79x128xi32, #tpu.memory_space<hbm>>) dst(%arg6 : memref<79x128xi32, #tpu.memory_space<vmem>>)
      tpu.yield
    }) : () -> ()
    "tpu.region"() ({
      %run_scoped3A = tpu.sem_alloc : memref<!tpu.dma_semaphore, #tpu.memory_space<semaphore_mem>>
      %dma_start3A = arith.constant 0 : i32
      %dma_start3A_37 = arith.constant 0 : i32
      %dma_start3A_38 = tpu.memref_slice %arg4[%add3A, %dma_start3A, %dma_start3A_37] : memref<32x79x128xi32, #tpu.memory_space<hbm>> -> memref<1x79x128xi32, #tpu.memory_space<hbm>>
      %dma_start3A_39 = tpu.memref_squeeze %dma_start3A_38 : memref<1x79x128xi32, #tpu.memory_space<hbm>> -> memref<79x128xi32, #tpu.memory_space<hbm>>
      %dma_start3A_40 = arith.constant 0 : i32
      %dma_start3A_41 = arith.constant 0 : i32
      %dma_start3A_42 = tpu.memref_slice %arg4[%add3A, %dma_start3A_40, %dma_start3A_41] : memref<32x79x128xi32, #tpu.memory_space<hbm>> -> memref<1x79x128xi32, #tpu.memory_space<hbm>>
      %dma_start3A_43 = tpu.memref_squeeze %dma_start3A_42 : memref<1x79x128xi32, #tpu.memory_space<hbm>> -> memref<79x128xi32, #tpu.memory_space<hbm>>
      tpu.enqueue_dma source(%dma_start3A_43 : memref<79x128xi32, #tpu.memory_space<hbm>>) target(%arg7 : memref<79x128xi32, #tpu.memory_space<vmem>>) target_semaphore(%run_scoped3A : memref<!tpu.dma_semaphore, #tpu.memory_space<semaphore_mem>>)
      %dma_wait3A = arith.constant 0 : i32
      %dma_wait3A_44 = arith.constant 0 : i32
      %dma_wait3A_45 = tpu.memref_slice %arg4[%add3A, %dma_wait3A, %dma_wait3A_44] : memref<32x79x128xi32, #tpu.memory_space<hbm>> -> memref<1x79x128xi32, #tpu.memory_space<hbm>>
      %dma_wait3A_46 = tpu.memref_squeeze %dma_wait3A_45 : memref<1x79x128xi32, #tpu.memory_space<hbm>> -> memref<79x128xi32, #tpu.memory_space<hbm>>
      %dma_wait3A_47 = arith.constant 0 : i32
      %dma_wait3A_48 = arith.constant 0 : i32
      %dma_wait3A_49 = tpu.memref_slice %arg4[%add3A, %dma_wait3A_47, %dma_wait3A_48] : memref<32x79x128xi32, #tpu.memory_space<hbm>> -> memref<1x79x128xi32, #tpu.memory_space<hbm>>
      %dma_wait3A_50 = tpu.memref_squeeze %dma_wait3A_49 : memref<1x79x128xi32, #tpu.memory_space<hbm>> -> memref<79x128xi32, #tpu.memory_space<hbm>>
      tpu.wait_dma2 semaphore(%run_scoped3A : memref<!tpu.dma_semaphore, #tpu.memory_space<semaphore_mem>>) src(%dma_wait3A_50 : memref<79x128xi32, #tpu.memory_space<hbm>>) dst(%arg7 : memref<79x128xi32, #tpu.memory_space<vmem>>)
      tpu.yield
    }) : () -> ()
    %barrier3A = arith.constant 0 : index
    tpu.barrier barrier_id(%barrier3A)
    %scan3A_29 = arith.constant 0 : i32
    %scan3A_30 = arith.constant 0 : i32
    %scan3A_31 = arith.constant 79 : i32
    %scan3A_32 = arith.addi %scan3A_30, %scan3A_31 : i32
    %scan3A_33 = arith.constant 1 : i32
    %scan3A_34 = scf.for %scan3A_37 = %scan3A_30 to %scan3A_32 step %scan3A_33 iter_args(%scan3A_38 = %scan3A_29) -> (i32)  : i32 {
      %dma_start3A = arith.constant 0 : i32
      %dma_start3A_39 = tpu.memref_slice %arg6[%scan3A_37, %dma_start3A] : memref<79x128xi32, #tpu.memory_space<vmem>> -> memref<1x128xi32, #tpu.memory_space<vmem>>
      %dma_start3A_40 = tpu.memref_squeeze %dma_start3A_39 : memref<1x128xi32, #tpu.memory_space<vmem>> -> memref<128xi32, #tpu.memory_space<vmem>>
      %dma_start3A_41 = arith.constant 0 : i32
      %dma_start3A_42 = arith.constant 0 : i32
      %dma_start3A_43 = tpu.memref_slice %arg2[%dma_start3A_41, %dma_start3A_42] : memref<10000x128xf32, #tpu.memory_space<hbm>> -> memref<10000x128xf32, #tpu.memory_space<hbm>>
      tpu.enqueue_indirect_dma source(%dma_start3A_43 : memref<10000x128xf32, #tpu.memory_space<hbm>>) target(%arg8 : memref<128x128xf32, #tpu.memory_space<vmem>>) offsets(%dma_start3A_40 : memref<128xi32, #tpu.memory_space<vmem>>) semaphore(%arg11 : memref<!tpu.dma_semaphore, #tpu.memory_space<semaphore_mem>>)
      %dma_wait3A = arith.constant 0 : i32
      %dma_wait3A_44 = tpu.memref_slice %arg6[%scan3A_37, %dma_wait3A] : memref<79x128xi32, #tpu.memory_space<vmem>> -> memref<1x128xi32, #tpu.memory_space<vmem>>
      %dma_wait3A_45 = tpu.memref_squeeze %dma_wait3A_44 : memref<1x128xi32, #tpu.memory_space<vmem>> -> memref<128xi32, #tpu.memory_space<vmem>>
      %dma_wait3A_46 = arith.constant 0 : i32
      %dma_wait3A_47 = arith.constant 0 : i32
      %dma_wait3A_48 = tpu.memref_slice %arg2[%dma_wait3A_46, %dma_wait3A_47] : memref<10000x128xf32, #tpu.memory_space<hbm>> -> memref<10000x128xf32, #tpu.memory_space<hbm>>
      tpu.wait_indirect_dma semaphore(%arg11 : memref<!tpu.dma_semaphore, #tpu.memory_space<semaphore_mem>>) src(%dma_wait3A_48 : memref<10000x128xf32, #tpu.memory_space<hbm>>) dst(%arg8 : memref<128x128xf32, #tpu.memory_space<vmem>>)
      "tpu.region"() ({
        %run_scoped3A = tpu.sem_alloc : memref<!tpu.dma_semaphore, #tpu.memory_space<semaphore_mem>>
        %dma_start3A_50 = arith.constant 0 : i32
        %dma_start3A_51 = tpu.memref_slice %arg7[%scan3A_37, %dma_start3A_50] : memref<79x128xi32, #tpu.memory_space<vmem>> -> memref<1x128xi32, #tpu.memory_space<vmem>>
        %dma_start3A_52 = tpu.memref_squeeze %dma_start3A_51 : memref<1x128xi32, #tpu.memory_space<vmem>> -> memref<128xi32, #tpu.memory_space<vmem>>
        %dma_start3A_53 = arith.constant 0 : i32
        %dma_start3A_54 = arith.constant 0 : i32
        %dma_start3A_55 = tpu.memref_slice %arg10[%dma_start3A_53, %dma_start3A_54] : memref<10240x128xf32, #tpu.memory_space<vmem_shared>> -> memref<10240x128xf32, #tpu.memory_space<vmem_shared>>
        tpu.enqueue_indirect_dma source(%arg8 : memref<128x128xf32, #tpu.memory_space<vmem>>) target(%dma_start3A_55 : memref<10240x128xf32, #tpu.memory_space<vmem_shared>>) offsets(%dma_start3A_52 : memref<128xi32, #tpu.memory_space<vmem>>) semaphore(%run_scoped3A : memref<!tpu.dma_semaphore, #tpu.memory_space<semaphore_mem>>) {add = true}
        %dma_wait3A_56 = arith.constant 0 : i32
        %dma_wait3A_57 = tpu.memref_slice %arg7[%scan3A_37, %dma_wait3A_56] : memref<79x128xi32, #tpu.memory_space<vmem>> -> memref<1x128xi32, #tpu.memory_space<vmem>>
        %dma_wait3A_58 = tpu.memref_squeeze %dma_wait3A_57 : memref<1x128xi32, #tpu.memory_space<vmem>> -> memref<128xi32, #tpu.memory_space<vmem>>
        %dma_wait3A_59 = arith.constant 0 : i32
        %dma_wait3A_60 = arith.constant 0 : i32
        %dma_wait3A_61 = tpu.memref_slice %arg10[%dma_wait3A_59, %dma_wait3A_60] : memref<10240x128xf32, #tpu.memory_space<vmem_shared>> -> memref<10240x128xf32, #tpu.memory_space<vmem_shared>>
        tpu.wait_indirect_dma semaphore(%run_scoped3A : memref<!tpu.dma_semaphore, #tpu.memory_space<semaphore_mem>>) src(%arg8 : memref<128x128xf32, #tpu.memory_space<vmem>>) dst(%dma_wait3A_61 : memref<10240x128xf32, #tpu.memory_space<vmem_shared>>)
        tpu.yield
      }) : () -> ()
      %scan3A_49 = arith.constant 0 : i32
      scf.yield %scan3A_49 : i32
    }
    %scan3A_35 = arith.constant 79 : i32
    %barrier3A_36 = arith.constant 0 : index
    tpu.barrier barrier_id(%barrier3A_36)
    "tpu.region"() ({
      %run_scoped3A = tpu.sem_alloc : memref<!tpu.dma_semaphore, #tpu.memory_space<semaphore_mem>>
      %dma_start3A = arith.constant 0 : i32
      %dma_start3A_37 = tpu.memref_slice %arg5[%arg0, %mul3A_2, %dma_start3A] : memref<2x10240x128xf32, #tpu.memory_space<hbm>> -> memref<1x640x128xf32, #tpu.memory_space<hbm>>
      %dma_start3A_38 = tpu.memref_squeeze %dma_start3A_37 : memref<1x640x128xf32, #tpu.memory_space<hbm>> -> memref<640x128xf32, #tpu.memory_space<hbm>>
      %dma_start3A_39 = arith.constant 0 : i32
      %dma_start3A_40 = tpu.memref_slice %arg10[%mul3A_2, %dma_start3A_39] : memref<10240x128xf32, #tpu.memory_space<vmem_shared>> -> memref<640x128xf32, #tpu.memory_space<vmem_shared>>
      tpu.enqueue_dma source(%dma_start3A_40 : memref<640x128xf32, #tpu.memory_space<vmem_shared>>) target(%dma_start3A_38 : memref<640x128xf32, #tpu.memory_space<hbm>>) target_semaphore(%run_scoped3A : memref<!tpu.dma_semaphore, #tpu.memory_space<semaphore_mem>>)
      %dma_wait3A = arith.constant 0 : i32
      %dma_wait3A_41 = tpu.memref_slice %arg5[%arg0, %mul3A_2, %dma_wait3A] : memref<2x10240x128xf32, #tpu.memory_space<hbm>> -> memref<1x640x128xf32, #tpu.memory_space<hbm>>
      %dma_wait3A_42 = tpu.memref_squeeze %dma_wait3A_41 : memref<1x640x128xf32, #tpu.memory_space<hbm>> -> memref<640x128xf32, #tpu.memory_space<hbm>>
      %dma_wait3A_43 = arith.constant 0 : i32
      %dma_wait3A_44 = tpu.memref_slice %arg10[%mul3A_2, %dma_wait3A_43] : memref<10240x128xf32, #tpu.memory_space<vmem_shared>> -> memref<640x128xf32, #tpu.memory_space<vmem_shared>>
      tpu.wait_dma2 semaphore(%run_scoped3A : memref<!tpu.dma_semaphore, #tpu.memory_space<semaphore_mem>>) src(%dma_wait3A_44 : memref<640x128xf32, #tpu.memory_space<vmem_shared>>) dst(%dma_wait3A_42 : memref<640x128xf32, #tpu.memory_space<hbm>>)
      tpu.yield
    }) : () -> ()
    return
  }
}

#map = affine_map<(d0, d1) -> (0, 0)>
#map1 = affine_map<(d0, d1) -> (0, 0, 0)>
module attributes {stable_mosaic.version = 14 : i64} {
  func.func @_spmm_kernel(%arg0: i32, %arg1: i32, %arg2: memref<10000x128xf32, #tpu.memory_space<hbm>>, %arg3: memref<32x79x128xi32, #tpu.memory_space<hbm>>, %arg4: memref<32x79x128xi32, #tpu.memory_space<hbm>>, %arg5: memref<2x10240x128xf32, #tpu.memory_space<hbm>>, %arg6: memref<79x128xi32, #tpu.memory_space<vmem>>, %arg7: memref<79x128xi32, #tpu.memory_space<vmem>>, %arg8: memref<128x128xf32, #tpu.memory_space<vmem>>, %arg9: memref<64x128xf32, #tpu.memory_space<vmem>>, %arg10: memref<10240x128xf32, #tpu.memory_space<vmem_shared>>, %arg11: memref<!tpu.dma_semaphore, #tpu.memory_space<semaphore_mem>>) attributes {dimension_semantics = [#tpu.dimension_semantics<core_parallel>, #tpu.dimension_semantics<subcore_parallel>], iteration_bounds = array<i64: 2, 16>, scalar_prefetch = 0 : i64, scratch_operands = 6 : i64, tpu.core_type = #tpu.core_type<sc_vector_subcore>, window_params = [{transform_indices = #map}, {transform_indices = #map1}, {transform_indices = #map1}, {transform_indices = #map1}]} {
    %mul3A = arith.constant 16 : i32
    %mul3A_0 = arith.muli %arg0, %mul3A : i32
    %add3A = arith.addi %mul3A_0, %arg1 : i32
    %mul3A_1 = arith.constant 640 : i32
    %mul3A_2 = arith.muli %arg1, %mul3A_1 : i32
    %scan3A = arith.constant 0 : i32
    %scan3A_3 = arith.constant 0 : i32
    %scan3A_4 = arith.constant 64 : i32
    %scan3A_5 = arith.addi %scan3A_3, %scan3A_4 : i32
    %scan3A_6 = arith.constant 1 : i32
    %scan3A_7 = scf.for %scan3A_37 = %scan3A_3 to %scan3A_5 step %scan3A_6 iter_args(%scan3A_38 = %scan3A) -> (i32)  : i32 {
      %broadcast_in_dim3A = arith.constant 0.000000e+00 : f32
      %broadcast_in_dim3A_39 = vector.broadcast %broadcast_in_dim3A : f32 to vector<16xf32>
      %swap3A = arith.index_cast %scan3A_37 : i32 to index
      %swap3A_40 = arith.constant 0 : index
      %swap3A_41 = tpu.vector_load %arg9[%swap3A, %swap3A_40] {strides = array<i32>} : memref<64x128xf32, #tpu.memory_space<vmem>>, vector<1x16xf32>,
      %swap3A_42 = vector.shape_cast %swap3A_41 : vector<1x16xf32> to vector<16xf32>
      %swap3A_43 = vector.shape_cast %broadcast_in_dim3A_39 : vector<16xf32> to vector<1x16xf32>
      tpu.vector_store %arg9[%swap3A, %swap3A_40], %swap3A_43 {strides = array<i32>} : memref<64x128xf32, #tpu.memory_space<vmem>>, vector<1x16xf32>,
      %broadcast_in_dim3A_44 = arith.constant 0.000000e+00 : f32
      %broadcast_in_dim3A_45 = vector.broadcast %broadcast_in_dim3A_44 : f32 to vector<16xf32>
      %swap3A_46 = arith.index_cast %scan3A_37 : i32 to index
      %swap3A_47 = arith.constant 16 : index
      %swap3A_48 = tpu.vector_load %arg9[%swap3A_46, %swap3A_47] {strides = array<i32>} : memref<64x128xf32, #tpu.memory_space<vmem>>, vector<1x16xf32>,
      %swap3A_49 = vector.shape_cast %swap3A_48 : vector<1x16xf32> to vector<16xf32>
      %swap3A_50 = vector.shape_cast %broadcast_in_dim3A_45 : vector<16xf32> to vector<1x16xf32>
      tpu.vector_store %arg9[%swap3A_46, %swap3A_47], %swap3A_50 {strides = array<i32>} : memref<64x128xf32, #tpu.memory_space<vmem>>, vector<1x16xf32>,
      %broadcast_in_dim3A_51 = arith.constant 0.000000e+00 : f32
      %broadcast_in_dim3A_52 = vector.broadcast %broadcast_in_dim3A_51 : f32 to vector<16xf32>
      %swap3A_53 = arith.index_cast %scan3A_37 : i32 to index
      %swap3A_54 = arith.constant 32 : index
      %swap3A_55 = tpu.vector_load %arg9[%swap3A_53, %swap3A_54] {strides = array<i32>} : memref<64x128xf32, #tpu.memory_space<vmem>>, vector<1x16xf32>,
      %swap3A_56 = vector.shape_cast %swap3A_55 : vector<1x16xf32> to vector<16xf32>
      %swap3A_57 = vector.shape_cast %broadcast_in_dim3A_52 : vector<16xf32> to vector<1x16xf32>
      tpu.vector_store %arg9[%swap3A_53, %swap3A_54], %swap3A_57 {strides = array<i32>} : memref<64x128xf32, #tpu.memory_space<vmem>>, vector<1x16xf32>,
      %broadcast_in_dim3A_58 = arith.constant 0.000000e+00 : f32
      %broadcast_in_dim3A_59 = vector.broadcast %broadcast_in_dim3A_58 : f32 to vector<16xf32>
      %swap3A_60 = arith.index_cast %scan3A_37 : i32 to index
      %swap3A_61 = arith.constant 48 : index
      %swap3A_62 = tpu.vector_load %arg9[%swap3A_60, %swap3A_61] {strides = array<i32>} : memref<64x128xf32, #tpu.memory_space<vmem>>, vector<1x16xf32>,
      %swap3A_63 = vector.shape_cast %swap3A_62 : vector<1x16xf32> to vector<16xf32>
      %swap3A_64 = vector.shape_cast %broadcast_in_dim3A_59 : vector<16xf32> to vector<1x16xf32>
      tpu.vector_store %arg9[%swap3A_60, %swap3A_61], %swap3A_64 {strides = array<i32>} : memref<64x128xf32, #tpu.memory_space<vmem>>, vector<1x16xf32>,
      %broadcast_in_dim3A_65 = arith.constant 0.000000e+00 : f32
      %broadcast_in_dim3A_66 = vector.broadcast %broadcast_in_dim3A_65 : f32 to vector<16xf32>
      %swap3A_67 = arith.index_cast %scan3A_37 : i32 to index
      %swap3A_68 = arith.constant 64 : index
      %swap3A_69 = tpu.vector_load %arg9[%swap3A_67, %swap3A_68] {strides = array<i32>} : memref<64x128xf32, #tpu.memory_space<vmem>>, vector<1x16xf32>,
      %swap3A_70 = vector.shape_cast %swap3A_69 : vector<1x16xf32> to vector<16xf32>
      %swap3A_71 = vector.shape_cast %broadcast_in_dim3A_66 : vector<16xf32> to vector<1x16xf32>
      tpu.vector_store %arg9[%swap3A_67, %swap3A_68], %swap3A_71 {strides = array<i32>} : memref<64x128xf32, #tpu.memory_space<vmem>>, vector<1x16xf32>,
      %broadcast_in_dim3A_72 = arith.constant 0.000000e+00 : f32
      %broadcast_in_dim3A_73 = vector.broadcast %broadcast_in_dim3A_72 : f32 to vector<16xf32>
      %swap3A_74 = arith.index_cast %scan3A_37 : i32 to index
      %swap3A_75 = arith.constant 80 : index
      %swap3A_76 = tpu.vector_load %arg9[%swap3A_74, %swap3A_75] {strides = array<i32>} : memref<64x128xf32, #tpu.memory_space<vmem>>, vector<1x16xf32>,
      %swap3A_77 = vector.shape_cast %swap3A_76 : vector<1x16xf32> to vector<16xf32>
      %swap3A_78 = vector.shape_cast %broadcast_in_dim3A_73 : vector<16xf32> to vector<1x16xf32>
      tpu.vector_store %arg9[%swap3A_74, %swap3A_75], %swap3A_78 {strides = array<i32>} : memref<64x128xf32, #tpu.memory_space<vmem>>, vector<1x16xf32>,
      %broadcast_in_dim3A_79 = arith.constant 0.000000e+00 : f32
      %broadcast_in_dim3A_80 = vector.broadcast %broadcast_in_dim3A_79 : f32 to vector<16xf32>
      %swap3A_81 = arith.index_cast %scan3A_37 : i32 to index
      %swap3A_82 = arith.constant 96 : index
      %swap3A_83 = tpu.vector_load %arg9[%swap3A_81, %swap3A_82] {strides = array<i32>} : memref<64x128xf32, #tpu.memory_space<vmem>>, vector<1x16xf32>,
      %swap3A_84 = vector.shape_cast %swap3A_83 : vector<1x16xf32> to vector<16xf32>
      %swap3A_85 = vector.shape_cast %broadcast_in_dim3A_80 : vector<16xf32> to vector<1x16xf32>
      tpu.vector_store %arg9[%swap3A_81, %swap3A_82], %swap3A_85 {strides = array<i32>} : memref<64x128xf32, #tpu.memory_space<vmem>>, vector<1x16xf32>,
      %broadcast_in_dim3A_86 = arith.constant 0.000000e+00 : f32
      %broadcast_in_dim3A_87 = vector.broadcast %broadcast_in_dim3A_86 : f32 to vector<16xf32>
      %swap3A_88 = arith.index_cast %scan3A_37 : i32 to index
      %swap3A_89 = arith.constant 112 : index
      %swap3A_90 = tpu.vector_load %arg9[%swap3A_88, %swap3A_89] {strides = array<i32>} : memref<64x128xf32, #tpu.memory_space<vmem>>, vector<1x16xf32>,
      %swap3A_91 = vector.shape_cast %swap3A_90 : vector<1x16xf32> to vector<16xf32>
      %swap3A_92 = vector.shape_cast %broadcast_in_dim3A_87 : vector<16xf32> to vector<1x16xf32>
      tpu.vector_store %arg9[%swap3A_88, %swap3A_89], %swap3A_92 {strides = array<i32>} : memref<64x128xf32, #tpu.memory_space<vmem>>, vector<1x16xf32>,
      %scan3A_93 = arith.constant 0 : i32
      scf.yield %scan3A_93 : i32
    }
    %scan3A_8 = arith.constant 64 : i32
    %add3A_9 = arith.constant 0 : i32
    %add3A_10 = arith.addi %mul3A_2, %add3A_9 : i32
    "tpu.region"() ({
      %run_scoped3A = tpu.sem_alloc : memref<!tpu.dma_semaphore, #tpu.memory_space<semaphore_mem>>
      %dma_start3A = arith.constant 0 : i32
      %dma_start3A_37 = tpu.memref_slice %arg10[%add3A_10, %dma_start3A] : memref<10240x128xf32, #tpu.memory_space<vmem_shared>> -> memref<64x128xf32, #tpu.memory_space<vmem_shared>>
      %dma_start3A_38 = arith.constant 0 : i32
      %dma_start3A_39 = tpu.memref_slice %arg10[%add3A_10, %dma_start3A_38] : memref<10240x128xf32, #tpu.memory_space<vmem_shared>> -> memref<64x128xf32, #tpu.memory_space<vmem_shared>>
      tpu.enqueue_dma source(%arg9 : memref<64x128xf32, #tpu.memory_space<vmem>>) target(%dma_start3A_39 : memref<64x128xf32, #tpu.memory_space<vmem_shared>>) target_semaphore(%run_scoped3A : memref<!tpu.dma_semaphore, #tpu.memory_space<semaphore_mem>>)
      %dma_wait3A = arith.constant 0 : i32
      %dma_wait3A_40 = tpu.memref_slice %arg10[%add3A_10, %dma_wait3A] : memref<10240x128xf32, #tpu.memory_space<vmem_shared>> -> memref<64x128xf32, #tpu.memory_space<vmem_shared>>
      %dma_wait3A_41 = arith.constant 0 : i32
      %dma_wait3A_42 = tpu.memref_slice %arg10[%add3A_10, %dma_wait3A_41] : memref<10240x128xf32, #tpu.memory_space<vmem_shared>> -> memref<64x128xf32, #tpu.memory_space<vmem_shared>>
      tpu.wait_dma2 semaphore(%run_scoped3A : memref<!tpu.dma_semaphore, #tpu.memory_space<semaphore_mem>>) src(%arg9 : memref<64x128xf32, #tpu.memory_space<vmem>>) dst(%dma_wait3A_42 : memref<64x128xf32, #tpu.memory_space<vmem_shared>>)
      tpu.yield
    }) : () -> ()
    %add3A_11 = arith.constant 64 : i32
    %add3A_12 = arith.addi %mul3A_2, %add3A_11 : i32
    "tpu.region"() ({
      %run_scoped3A = tpu.sem_alloc : memref<!tpu.dma_semaphore, #tpu.memory_space<semaphore_mem>>
      %dma_start3A = arith.constant 0 : i32
      %dma_start3A_37 = tpu.memref_slice %arg10[%add3A_12, %dma_start3A] : memref<10240x128xf32, #tpu.memory_space<vmem_shared>> -> memref<64x128xf32, #tpu.memory_space<vmem_shared>>
      %dma_start3A_38 = arith.constant 0 : i32
      %dma_start3A_39 = tpu.memref_slice %arg10[%add3A_12, %dma_start3A_38] : memref<10240x128xf32, #tpu.memory_space<vmem_shared>> -> memref<64x128xf32, #tpu.memory_space<vmem_shared>>
      tpu.enqueue_dma source(%arg9 : memref<64x128xf32, #tpu.memory_space<vmem>>) target(%dma_start3A_39 : memref<64x128xf32, #tpu.memory_space<vmem_shared>>) target_semaphore(%run_scoped3A : memref<!tpu.dma_semaphore, #tpu.memory_space<semaphore_mem>>)
      %dma_wait3A = arith.constant 0 : i32
      %dma_wait3A_40 = tpu.memref_slice %arg10[%add3A_12, %dma_wait3A] : memref<10240x128xf32, #tpu.memory_space<vmem_shared>> -> memref<64x128xf32, #tpu.memory_space<vmem_shared>>
      %dma_wait3A_41 = arith.constant 0 : i32
      %dma_wait3A_42 = tpu.memref_slice %arg10[%add3A_12, %dma_wait3A_41] : memref<10240x128xf32, #tpu.memory_space<vmem_shared>> -> memref<64x128xf32, #tpu.memory_space<vmem_shared>>
      tpu.wait_dma2 semaphore(%run_scoped3A : memref<!tpu.dma_semaphore, #tpu.memory_space<semaphore_mem>>) src(%arg9 : memref<64x128xf32, #tpu.memory_space<vmem>>) dst(%dma_wait3A_42 : memref<64x128xf32, #tpu.memory_space<vmem_shared>>)
      tpu.yield
    }) : () -> ()
    %add3A_13 = arith.constant 128 : i32
    %add3A_14 = arith.addi %mul3A_2, %add3A_13 : i32
    "tpu.region"() ({
      %run_scoped3A = tpu.sem_alloc : memref<!tpu.dma_semaphore, #tpu.memory_space<semaphore_mem>>
      %dma_start3A = arith.constant 0 : i32
      %dma_start3A_37 = tpu.memref_slice %arg10[%add3A_14, %dma_start3A] : memref<10240x128xf32, #tpu.memory_space<vmem_shared>> -> memref<64x128xf32, #tpu.memory_space<vmem_shared>>
      %dma_start3A_38 = arith.constant 0 : i32
      %dma_start3A_39 = tpu.memref_slice %arg10[%add3A_14, %dma_start3A_38] : memref<10240x128xf32, #tpu.memory_space<vmem_shared>> -> memref<64x128xf32, #tpu.memory_space<vmem_shared>>
      tpu.enqueue_dma source(%arg9 : memref<64x128xf32, #tpu.memory_space<vmem>>) target(%dma_start3A_39 : memref<64x128xf32, #tpu.memory_space<vmem_shared>>) target_semaphore(%run_scoped3A : memref<!tpu.dma_semaphore, #tpu.memory_space<semaphore_mem>>)
      %dma_wait3A = arith.constant 0 : i32
      %dma_wait3A_40 = tpu.memref_slice %arg10[%add3A_14, %dma_wait3A] : memref<10240x128xf32, #tpu.memory_space<vmem_shared>> -> memref<64x128xf32, #tpu.memory_space<vmem_shared>>
      %dma_wait3A_41 = arith.constant 0 : i32
      %dma_wait3A_42 = tpu.memref_slice %arg10[%add3A_14, %dma_wait3A_41] : memref<10240x128xf32, #tpu.memory_space<vmem_shared>> -> memref<64x128xf32, #tpu.memory_space<vmem_shared>>
      tpu.wait_dma2 semaphore(%run_scoped3A : memref<!tpu.dma_semaphore, #tpu.memory_space<semaphore_mem>>) src(%arg9 : memref<64x128xf32, #tpu.memory_space<vmem>>) dst(%dma_wait3A_42 : memref<64x128xf32, #tpu.memory_space<vmem_shared>>)
      tpu.yield
    }) : () -> ()
    %add3A_15 = arith.constant 192 : i32
    %add3A_16 = arith.addi %mul3A_2, %add3A_15 : i32
    "tpu.region"() ({
      %run_scoped3A = tpu.sem_alloc : memref<!tpu.dma_semaphore, #tpu.memory_space<semaphore_mem>>
      %dma_start3A = arith.constant 0 : i32
      %dma_start3A_37 = tpu.memref_slice %arg10[%add3A_16, %dma_start3A] : memref<10240x128xf32, #tpu.memory_space<vmem_shared>> -> memref<64x128xf32, #tpu.memory_space<vmem_shared>>
      %dma_start3A_38 = arith.constant 0 : i32
      %dma_start3A_39 = tpu.memref_slice %arg10[%add3A_16, %dma_start3A_38] : memref<10240x128xf32, #tpu.memory_space<vmem_shared>> -> memref<64x128xf32, #tpu.memory_space<vmem_shared>>
      tpu.enqueue_dma source(%arg9 : memref<64x128xf32, #tpu.memory_space<vmem>>) target(%dma_start3A_39 : memref<64x128xf32, #tpu.memory_space<vmem_shared>>) target_semaphore(%run_scoped3A : memref<!tpu.dma_semaphore, #tpu.memory_space<semaphore_mem>>)
      %dma_wait3A = arith.constant 0 : i32
      %dma_wait3A_40 = tpu.memref_slice %arg10[%add3A_16, %dma_wait3A] : memref<10240x128xf32, #tpu.memory_space<vmem_shared>> -> memref<64x128xf32, #tpu.memory_space<vmem_shared>>
      %dma_wait3A_41 = arith.constant 0 : i32
      %dma_wait3A_42 = tpu.memref_slice %arg10[%add3A_16, %dma_wait3A_41] : memref<10240x128xf32, #tpu.memory_space<vmem_shared>> -> memref<64x128xf32, #tpu.memory_space<vmem_shared>>
      tpu.wait_dma2 semaphore(%run_scoped3A : memref<!tpu.dma_semaphore, #tpu.memory_space<semaphore_mem>>) src(%arg9 : memref<64x128xf32, #tpu.memory_space<vmem>>) dst(%dma_wait3A_42 : memref<64x128xf32, #tpu.memory_space<vmem_shared>>)
      tpu.yield
    }) : () -> ()
    %add3A_17 = arith.constant 256 : i32
    %add3A_18 = arith.addi %mul3A_2, %add3A_17 : i32
    "tpu.region"() ({
      %run_scoped3A = tpu.sem_alloc : memref<!tpu.dma_semaphore, #tpu.memory_space<semaphore_mem>>
      %dma_start3A = arith.constant 0 : i32
      %dma_start3A_37 = tpu.memref_slice %arg10[%add3A_18, %dma_start3A] : memref<10240x128xf32, #tpu.memory_space<vmem_shared>> -> memref<64x128xf32, #tpu.memory_space<vmem_shared>>
      %dma_start3A_38 = arith.constant 0 : i32
      %dma_start3A_39 = tpu.memref_slice %arg10[%add3A_18, %dma_start3A_38] : memref<10240x128xf32, #tpu.memory_space<vmem_shared>> -> memref<64x128xf32, #tpu.memory_space<vmem_shared>>
      tpu.enqueue_dma source(%arg9 : memref<64x128xf32, #tpu.memory_space<vmem>>) target(%dma_start3A_39 : memref<64x128xf32, #tpu.memory_space<vmem_shared>>) target_semaphore(%run_scoped3A : memref<!tpu.dma_semaphore, #tpu.memory_space<semaphore_mem>>)
      %dma_wait3A = arith.constant 0 : i32
      %dma_wait3A_40 = tpu.memref_slice %arg10[%add3A_18, %dma_wait3A] : memref<10240x128xf32, #tpu.memory_space<vmem_shared>> -> memref<64x128xf32, #tpu.memory_space<vmem_shared>>
      %dma_wait3A_41 = arith.constant 0 : i32
      %dma_wait3A_42 = tpu.memref_slice %arg10[%add3A_18, %dma_wait3A_41] : memref<10240x128xf32, #tpu.memory_space<vmem_shared>> -> memref<64x128xf32, #tpu.memory_space<vmem_shared>>
      tpu.wait_dma2 semaphore(%run_scoped3A : memref<!tpu.dma_semaphore, #tpu.memory_space<semaphore_mem>>) src(%arg9 : memref<64x128xf32, #tpu.memory_space<vmem>>) dst(%dma_wait3A_42 : memref<64x128xf32, #tpu.memory_space<vmem_shared>>)
      tpu.yield
    }) : () -> ()
    %add3A_19 = arith.constant 320 : i32
    %add3A_20 = arith.addi %mul3A_2, %add3A_19 : i32
    "tpu.region"() ({
      %run_scoped3A = tpu.sem_alloc : memref<!tpu.dma_semaphore, #tpu.memory_space<semaphore_mem>>
      %dma_start3A = arith.constant 0 : i32
      %dma_start3A_37 = tpu.memref_slice %arg10[%add3A_20, %dma_start3A] : memref<10240x128xf32, #tpu.memory_space<vmem_shared>> -> memref<64x128xf32, #tpu.memory_space<vmem_shared>>
      %dma_start3A_38 = arith.constant 0 : i32
      %dma_start3A_39 = tpu.memref_slice %arg10[%add3A_20, %dma_start3A_38] : memref<10240x128xf32, #tpu.memory_space<vmem_shared>> -> memref<64x128xf32, #tpu.memory_space<vmem_shared>>
      tpu.enqueue_dma source(%arg9 : memref<64x128xf32, #tpu.memory_space<vmem>>) target(%dma_start3A_39 : memref<64x128xf32, #tpu.memory_space<vmem_shared>>) target_semaphore(%run_scoped3A : memref<!tpu.dma_semaphore, #tpu.memory_space<semaphore_mem>>)
      %dma_wait3A = arith.constant 0 : i32
      %dma_wait3A_40 = tpu.memref_slice %arg10[%add3A_20, %dma_wait3A] : memref<10240x128xf32, #tpu.memory_space<vmem_shared>> -> memref<64x128xf32, #tpu.memory_space<vmem_shared>>
      %dma_wait3A_41 = arith.constant 0 : i32
      %dma_wait3A_42 = tpu.memref_slice %arg10[%add3A_20, %dma_wait3A_41] : memref<10240x128xf32, #tpu.memory_space<vmem_shared>> -> memref<64x128xf32, #tpu.memory_space<vmem_shared>>
      tpu.wait_dma2 semaphore(%run_scoped3A : memref<!tpu.dma_semaphore, #tpu.memory_space<semaphore_mem>>) src(%arg9 : memref<64x128xf32, #tpu.memory_space<vmem>>) dst(%dma_wait3A_42 : memref<64x128xf32, #tpu.memory_space<vmem_shared>>)
      tpu.yield
    }) : () -> ()
    %add3A_21 = arith.constant 384 : i32
    %add3A_22 = arith.addi %mul3A_2, %add3A_21 : i32
    "tpu.region"() ({
      %run_scoped3A = tpu.sem_alloc : memref<!tpu.dma_semaphore, #tpu.memory_space<semaphore_mem>>
      %dma_start3A = arith.constant 0 : i32
      %dma_start3A_37 = tpu.memref_slice %arg10[%add3A_22, %dma_start3A] : memref<10240x128xf32, #tpu.memory_space<vmem_shared>> -> memref<64x128xf32, #tpu.memory_space<vmem_shared>>
      %dma_start3A_38 = arith.constant 0 : i32
      %dma_start3A_39 = tpu.memref_slice %arg10[%add3A_22, %dma_start3A_38] : memref<10240x128xf32, #tpu.memory_space<vmem_shared>> -> memref<64x128xf32, #tpu.memory_space<vmem_shared>>
      tpu.enqueue_dma source(%arg9 : memref<64x128xf32, #tpu.memory_space<vmem>>) target(%dma_start3A_39 : memref<64x128xf32, #tpu.memory_space<vmem_shared>>) target_semaphore(%run_scoped3A : memref<!tpu.dma_semaphore, #tpu.memory_space<semaphore_mem>>)
      %dma_wait3A = arith.constant 0 : i32
      %dma_wait3A_40 = tpu.memref_slice %arg10[%add3A_22, %dma_wait3A] : memref<10240x128xf32, #tpu.memory_space<vmem_shared>> -> memref<64x128xf32, #tpu.memory_space<vmem_shared>>
      %dma_wait3A_41 = arith.constant 0 : i32
      %dma_wait3A_42 = tpu.memref_slice %arg10[%add3A_22, %dma_wait3A_41] : memref<10240x128xf32, #tpu.memory_space<vmem_shared>> -> memref<64x128xf32, #tpu.memory_space<vmem_shared>>
      tpu.wait_dma2 semaphore(%run_scoped3A : memref<!tpu.dma_semaphore, #tpu.memory_space<semaphore_mem>>) src(%arg9 : memref<64x128xf32, #tpu.memory_space<vmem>>) dst(%dma_wait3A_42 : memref<64x128xf32, #tpu.memory_space<vmem_shared>>)
      tpu.yield
    }) : () -> ()
    %add3A_23 = arith.constant 448 : i32
    %add3A_24 = arith.addi %mul3A_2, %add3A_23 : i32
    "tpu.region"() ({
      %run_scoped3A = tpu.sem_alloc : memref<!tpu.dma_semaphore, #tpu.memory_space<semaphore_mem>>
      %dma_start3A = arith.constant 0 : i32
      %dma_start3A_37 = tpu.memref_slice %arg10[%add3A_24, %dma_start3A] : memref<10240x128xf32, #tpu.memory_space<vmem_shared>> -> memref<64x128xf32, #tpu.memory_space<vmem_shared>>
      %dma_start3A_38 = arith.constant 0 : i32
      %dma_start3A_39 = tpu.memref_slice %arg10[%add3A_24, %dma_start3A_38] : memref<10240x128xf32, #tpu.memory_space<vmem_shared>> -> memref<64x128xf32, #tpu.memory_space<vmem_shared>>
      tpu.enqueue_dma source(%arg9 : memref<64x128xf32, #tpu.memory_space<vmem>>) target(%dma_start3A_39 : memref<64x128xf32, #tpu.memory_space<vmem_shared>>) target_semaphore(%run_scoped3A : memref<!tpu.dma_semaphore, #tpu.memory_space<semaphore_mem>>)
      %dma_wait3A = arith.constant 0 : i32
      %dma_wait3A_40 = tpu.memref_slice %arg10[%add3A_24, %dma_wait3A] : memref<10240x128xf32, #tpu.memory_space<vmem_shared>> -> memref<64x128xf32, #tpu.memory_space<vmem_shared>>
      %dma_wait3A_41 = arith.constant 0 : i32
      %dma_wait3A_42 = tpu.memref_slice %arg10[%add3A_24, %dma_wait3A_41] : memref<10240x128xf32, #tpu.memory_space<vmem_shared>> -> memref<64x128xf32, #tpu.memory_space<vmem_shared>>
      tpu.wait_dma2 semaphore(%run_scoped3A : memref<!tpu.dma_semaphore, #tpu.memory_space<semaphore_mem>>) src(%arg9 : memref<64x128xf32, #tpu.memory_space<vmem>>) dst(%dma_wait3A_42 : memref<64x128xf32, #tpu.memory_space<vmem_shared>>)
      tpu.yield
    }) : () -> ()
    %add3A_25 = arith.constant 512 : i32
    %add3A_26 = arith.addi %mul3A_2, %add3A_25 : i32
    "tpu.region"() ({
      %run_scoped3A = tpu.sem_alloc : memref<!tpu.dma_semaphore, #tpu.memory_space<semaphore_mem>>
      %dma_start3A = arith.constant 0 : i32
      %dma_start3A_37 = tpu.memref_slice %arg10[%add3A_26, %dma_start3A] : memref<10240x128xf32, #tpu.memory_space<vmem_shared>> -> memref<64x128xf32, #tpu.memory_space<vmem_shared>>
      %dma_start3A_38 = arith.constant 0 : i32
      %dma_start3A_39 = tpu.memref_slice %arg10[%add3A_26, %dma_start3A_38] : memref<10240x128xf32, #tpu.memory_space<vmem_shared>> -> memref<64x128xf32, #tpu.memory_space<vmem_shared>>
      tpu.enqueue_dma source(%arg9 : memref<64x128xf32, #tpu.memory_space<vmem>>) target(%dma_start3A_39 : memref<64x128xf32, #tpu.memory_space<vmem_shared>>) target_semaphore(%run_scoped3A : memref<!tpu.dma_semaphore, #tpu.memory_space<semaphore_mem>>)
      %dma_wait3A = arith.constant 0 : i32
      %dma_wait3A_40 = tpu.memref_slice %arg10[%add3A_26, %dma_wait3A] : memref<10240x128xf32, #tpu.memory_space<vmem_shared>> -> memref<64x128xf32, #tpu.memory_space<vmem_shared>>
      %dma_wait3A_41 = arith.constant 0 : i32
      %dma_wait3A_42 = tpu.memref_slice %arg10[%add3A_26, %dma_wait3A_41] : memref<10240x128xf32, #tpu.memory_space<vmem_shared>> -> memref<64x128xf32, #tpu.memory_space<vmem_shared>>
      tpu.wait_dma2 semaphore(%run_scoped3A : memref<!tpu.dma_semaphore, #tpu.memory_space<semaphore_mem>>) src(%arg9 : memref<64x128xf32, #tpu.memory_space<vmem>>) dst(%dma_wait3A_42 : memref<64x128xf32, #tpu.memory_space<vmem_shared>>)
      tpu.yield
    }) : () -> ()
    %add3A_27 = arith.constant 576 : i32
    %add3A_28 = arith.addi %mul3A_2, %add3A_27 : i32
    "tpu.region"() ({
      %run_scoped3A = tpu.sem_alloc : memref<!tpu.dma_semaphore, #tpu.memory_space<semaphore_mem>>
      %dma_start3A = arith.constant 0 : i32
      %dma_start3A_37 = tpu.memref_slice %arg10[%add3A_28, %dma_start3A] : memref<10240x128xf32, #tpu.memory_space<vmem_shared>> -> memref<64x128xf32, #tpu.memory_space<vmem_shared>>
      %dma_start3A_38 = arith.constant 0 : i32
      %dma_start3A_39 = tpu.memref_slice %arg10[%add3A_28, %dma_start3A_38] : memref<10240x128xf32, #tpu.memory_space<vmem_shared>> -> memref<64x128xf32, #tpu.memory_space<vmem_shared>>
      tpu.enqueue_dma source(%arg9 : memref<64x128xf32, #tpu.memory_space<vmem>>) target(%dma_start3A_39 : memref<64x128xf32, #tpu.memory_space<vmem_shared>>) target_semaphore(%run_scoped3A : memref<!tpu.dma_semaphore, #tpu.memory_space<semaphore_mem>>)
      %dma_wait3A = arith.constant 0 : i32
      %dma_wait3A_40 = tpu.memref_slice %arg10[%add3A_28, %dma_wait3A] : memref<10240x128xf32, #tpu.memory_space<vmem_shared>> -> memref<64x128xf32, #tpu.memory_space<vmem_shared>>
      %dma_wait3A_41 = arith.constant 0 : i32
      %dma_wait3A_42 = tpu.memref_slice %arg10[%add3A_28, %dma_wait3A_41] : memref<10240x128xf32, #tpu.memory_space<vmem_shared>> -> memref<64x128xf32, #tpu.memory_space<vmem_shared>>
      tpu.wait_dma2 semaphore(%run_scoped3A : memref<!tpu.dma_semaphore, #tpu.memory_space<semaphore_mem>>) src(%arg9 : memref<64x128xf32, #tpu.memory_space<vmem>>) dst(%dma_wait3A_42 : memref<64x128xf32, #tpu.memory_space<vmem_shared>>)
      tpu.yield
    }) : () -> ()
    "tpu.region"() ({
      %run_scoped3A = tpu.sem_alloc : memref<!tpu.dma_semaphore, #tpu.memory_space<semaphore_mem>>
      %dma_start3A = arith.constant 0 : i32
      %dma_start3A_37 = arith.constant 0 : i32
      %dma_start3A_38 = tpu.memref_slice %arg3[%add3A, %dma_start3A, %dma_start3A_37] : memref<32x79x128xi32, #tpu.memory_space<hbm>> -> memref<1x79x128xi32, #tpu.memory_space<hbm>>
      %dma_start3A_39 = tpu.memref_squeeze %dma_start3A_38 : memref<1x79x128xi32, #tpu.memory_space<hbm>> -> memref<79x128xi32, #tpu.memory_space<hbm>>
      %dma_start3A_40 = arith.constant 0 : i32
      %dma_start3A_41 = arith.constant 0 : i32
      %dma_start3A_42 = tpu.memref_slice %arg3[%add3A, %dma_start3A_40, %dma_start3A_41] : memref<32x79x128xi32, #tpu.memory_space<hbm>> -> memref<1x79x128xi32, #tpu.memory_space<hbm>>
      %dma_start3A_43 = tpu.memref_squeeze %dma_start3A_42 : memref<1x79x128xi32, #tpu.memory_space<hbm>> -> memref<79x128xi32, #tpu.memory_space<hbm>>
      tpu.enqueue_dma source(%dma_start3A_43 : memref<79x128xi32, #tpu.memory_space<hbm>>) target(%arg6 : memref<79x128xi32, #tpu.memory_space<vmem>>) target_semaphore(%run_scoped3A : memref<!tpu.dma_semaphore, #tpu.memory_space<semaphore_mem>>)
      %dma_wait3A = arith.constant 0 : i32
      %dma_wait3A_44 = arith.constant 0 : i32
      %dma_wait3A_45 = tpu.memref_slice %arg3[%add3A, %dma_wait3A, %dma_wait3A_44] : memref<32x79x128xi32, #tpu.memory_space<hbm>> -> memref<1x79x128xi32, #tpu.memory_space<hbm>>
      %dma_wait3A_46 = tpu.memref_squeeze %dma_wait3A_45 : memref<1x79x128xi32, #tpu.memory_space<hbm>> -> memref<79x128xi32, #tpu.memory_space<hbm>>
      %dma_wait3A_47 = arith.constant 0 : i32
      %dma_wait3A_48 = arith.constant 0 : i32
      %dma_wait3A_49 = tpu.memref_slice %arg3[%add3A, %dma_wait3A_47, %dma_wait3A_48] : memref<32x79x128xi32, #tpu.memory_space<hbm>> -> memref<1x79x128xi32, #tpu.memory_space<hbm>>
      %dma_wait3A_50 = tpu.memref_squeeze %dma_wait3A_49 : memref<1x79x128xi32, #tpu.memory_space<hbm>> -> memref<79x128xi32, #tpu.memory_space<hbm>>
      tpu.wait_dma2 semaphore(%run_scoped3A : memref<!tpu.dma_semaphore, #tpu.memory_space<semaphore_mem>>) src(%dma_wait3A_50 : memref<79x128xi32, #tpu.memory_space<hbm>>) dst(%arg6 : memref<79x128xi32, #tpu.memory_space<vmem>>)
      tpu.yield
    }) : () -> ()
    "tpu.region"() ({
      %run_scoped3A = tpu.sem_alloc : memref<!tpu.dma_semaphore, #tpu.memory_space<semaphore_mem>>
      %dma_start3A = arith.constant 0 : i32
      %dma_start3A_37 = arith.constant 0 : i32
      %dma_start3A_38 = tpu.memref_slice %arg4[%add3A, %dma_start3A, %dma_start3A_37] : memref<32x79x128xi32, #tpu.memory_space<hbm>> -> memref<1x79x128xi32, #tpu.memory_space<hbm>>
      %dma_start3A_39 = tpu.memref_squeeze %dma_start3A_38 : memref<1x79x128xi32, #tpu.memory_space<hbm>> -> memref<79x128xi32, #tpu.memory_space<hbm>>
      %dma_start3A_40 = arith.constant 0 : i32
      %dma_start3A_41 = arith.constant 0 : i32
      %dma_start3A_42 = tpu.memref_slice %arg4[%add3A, %dma_start3A_40, %dma_start3A_41] : memref<32x79x128xi32, #tpu.memory_space<hbm>> -> memref<1x79x128xi32, #tpu.memory_space<hbm>>
      %dma_start3A_43 = tpu.memref_squeeze %dma_start3A_42 : memref<1x79x128xi32, #tpu.memory_space<hbm>> -> memref<79x128xi32, #tpu.memory_space<hbm>>
      tpu.enqueue_dma source(%dma_start3A_43 : memref<79x128xi32, #tpu.memory_space<hbm>>) target(%arg7 : memref<79x128xi32, #tpu.memory_space<vmem>>) target_semaphore(%run_scoped3A : memref<!tpu.dma_semaphore, #tpu.memory_space<semaphore_mem>>)
      %dma_wait3A = arith.constant 0 : i32
      %dma_wait3A_44 = arith.constant 0 : i32
      %dma_wait3A_45 = tpu.memref_slice %arg4[%add3A, %dma_wait3A, %dma_wait3A_44] : memref<32x79x128xi32, #tpu.memory_space<hbm>> -> memref<1x79x128xi32, #tpu.memory_space<hbm>>
      %dma_wait3A_46 = tpu.memref_squeeze %dma_wait3A_45 : memref<1x79x128xi32, #tpu.memory_space<hbm>> -> memref<79x128xi32, #tpu.memory_space<hbm>>
      %dma_wait3A_47 = arith.constant 0 : i32
      %dma_wait3A_48 = arith.constant 0 : i32
      %dma_wait3A_49 = tpu.memref_slice %arg4[%add3A, %dma_wait3A_47, %dma_wait3A_48] : memref<32x79x128xi32, #tpu.memory_space<hbm>> -> memref<1x79x128xi32, #tpu.memory_space<hbm>>
      %dma_wait3A_50 = tpu.memref_squeeze %dma_wait3A_49 : memref<1x79x128xi32, #tpu.memory_space<hbm>> -> memref<79x128xi32, #tpu.memory_space<hbm>>
      tpu.wait_dma2 semaphore(%run_scoped3A : memref<!tpu.dma_semaphore, #tpu.memory_space<semaphore_mem>>) src(%dma_wait3A_50 : memref<79x128xi32, #tpu.memory_space<hbm>>) dst(%arg7 : memref<79x128xi32, #tpu.memory_space<vmem>>)
      tpu.yield
    }) : () -> ()
    %barrier3A = arith.constant 0 : index
    tpu.barrier barrier_id(%barrier3A)
    %scan3A_29 = arith.constant 0 : i32
    %scan3A_30 = arith.constant 0 : i32
    %scan3A_31 = arith.constant 79 : i32
    %scan3A_32 = arith.addi %scan3A_30, %scan3A_31 : i32
    %scan3A_33 = arith.constant 1 : i32
    %scan3A_34 = scf.for %scan3A_37 = %scan3A_30 to %scan3A_32 step %scan3A_33 iter_args(%scan3A_38 = %scan3A_29) -> (i32)  : i32 {
      %dma_start3A = arith.constant 0 : i32
      %dma_start3A_39 = tpu.memref_slice %arg6[%scan3A_37, %dma_start3A] : memref<79x128xi32, #tpu.memory_space<vmem>> -> memref<1x128xi32, #tpu.memory_space<vmem>>
      %dma_start3A_40 = tpu.memref_squeeze %dma_start3A_39 : memref<1x128xi32, #tpu.memory_space<vmem>> -> memref<128xi32, #tpu.memory_space<vmem>>
      %dma_start3A_41 = arith.constant 0 : i32
      %dma_start3A_42 = arith.constant 0 : i32
      %dma_start3A_43 = tpu.memref_slice %arg2[%dma_start3A_41, %dma_start3A_42] : memref<10000x128xf32, #tpu.memory_space<hbm>> -> memref<10000x128xf32, #tpu.memory_space<hbm>>
      tpu.enqueue_indirect_dma source(%dma_start3A_43 : memref<10000x128xf32, #tpu.memory_space<hbm>>) target(%arg8 : memref<128x128xf32, #tpu.memory_space<vmem>>) offsets(%dma_start3A_40 : memref<128xi32, #tpu.memory_space<vmem>>) semaphore(%arg11 : memref<!tpu.dma_semaphore, #tpu.memory_space<semaphore_mem>>)
      %dma_wait3A = arith.constant 0 : i32
      %dma_wait3A_44 = tpu.memref_slice %arg6[%scan3A_37, %dma_wait3A] : memref<79x128xi32, #tpu.memory_space<vmem>> -> memref<1x128xi32, #tpu.memory_space<vmem>>
      %dma_wait3A_45 = tpu.memref_squeeze %dma_wait3A_44 : memref<1x128xi32, #tpu.memory_space<vmem>> -> memref<128xi32, #tpu.memory_space<vmem>>
      %dma_wait3A_46 = arith.constant 0 : i32
      %dma_wait3A_47 = arith.constant 0 : i32
      %dma_wait3A_48 = tpu.memref_slice %arg2[%dma_wait3A_46, %dma_wait3A_47] : memref<10000x128xf32, #tpu.memory_space<hbm>> -> memref<10000x128xf32, #tpu.memory_space<hbm>>
      tpu.wait_indirect_dma semaphore(%arg11 : memref<!tpu.dma_semaphore, #tpu.memory_space<semaphore_mem>>) src(%dma_wait3A_48 : memref<10000x128xf32, #tpu.memory_space<hbm>>) dst(%arg8 : memref<128x128xf32, #tpu.memory_space<vmem>>)
      "tpu.region"() ({
        %run_scoped3A = tpu.sem_alloc : memref<!tpu.dma_semaphore, #tpu.memory_space<semaphore_mem>>
        %dma_start3A_50 = arith.constant 0 : i32
        %dma_start3A_51 = tpu.memref_slice %arg7[%scan3A_37, %dma_start3A_50] : memref<79x128xi32, #tpu.memory_space<vmem>> -> memref<1x128xi32, #tpu.memory_space<vmem>>
        %dma_start3A_52 = tpu.memref_squeeze %dma_start3A_51 : memref<1x128xi32, #tpu.memory_space<vmem>> -> memref<128xi32, #tpu.memory_space<vmem>>
        %dma_start3A_53 = arith.constant 0 : i32
        %dma_start3A_54 = arith.constant 0 : i32
        %dma_start3A_55 = tpu.memref_slice %arg10[%dma_start3A_53, %dma_start3A_54] : memref<10240x128xf32, #tpu.memory_space<vmem_shared>> -> memref<10240x128xf32, #tpu.memory_space<vmem_shared>>
        tpu.enqueue_indirect_dma source(%arg8 : memref<128x128xf32, #tpu.memory_space<vmem>>) target(%dma_start3A_55 : memref<10240x128xf32, #tpu.memory_space<vmem_shared>>) offsets(%dma_start3A_52 : memref<128xi32, #tpu.memory_space<vmem>>) semaphore(%run_scoped3A : memref<!tpu.dma_semaphore, #tpu.memory_space<semaphore_mem>>) {add = true}
        %dma_wait3A_56 = arith.constant 0 : i32
        %dma_wait3A_57 = tpu.memref_slice %arg7[%scan3A_37, %dma_wait3A_56] : memref<79x128xi32, #tpu.memory_space<vmem>> -> memref<1x128xi32, #tpu.memory_space<vmem>>
        %dma_wait3A_58 = tpu.memref_squeeze %dma_wait3A_57 : memref<1x128xi32, #tpu.memory_space<vmem>> -> memref<128xi32, #tpu.memory_space<vmem>>
        %dma_wait3A_59 = arith.constant 0 : i32
        %dma_wait3A_60 = arith.constant 0 : i32
        %dma_wait3A_61 = tpu.memref_slice %arg10[%dma_wait3A_59, %dma_wait3A_60] : memref<10240x128xf32, #tpu.memory_space<vmem_shared>> -> memref<10240x128xf32, #tpu.memory_space<vmem_shared>>
        tpu.wait_indirect_dma semaphore(%run_scoped3A : memref<!tpu.dma_semaphore, #tpu.memory_space<semaphore_mem>>) src(%arg8 : memref<128x128xf32, #tpu.memory_space<vmem>>) dst(%dma_wait3A_61 : memref<10240x128xf32, #tpu.memory_space<vmem_shared>>)
        tpu.yield
      }) : () -> ()
      %scan3A_49 = arith.constant 0 : i32
      scf.yield %scan3A_49 : i32
    }
    %scan3A_35 = arith.constant 79 : i32
    %barrier3A_36 = arith.constant 0 : index
    tpu.barrier barrier_id(%barrier3A_36)
    "tpu.region"() ({
      %run_scoped3A = tpu.sem_alloc : memref<!tpu.dma_semaphore, #tpu.memory_space<semaphore_mem>>
      %dma_start3A = arith.constant 0 : i32
      %dma_start3A_37 = tpu.memref_slice %arg5[%arg0, %mul3A_2, %dma_start3A] : memref<2x10240x128xf32, #tpu.memory_space<hbm>> -> memref<1x640x128xf32, #tpu.memory_space<hbm>>
      %dma_start3A_38 = tpu.memref_squeeze %dma_start3A_37 : memref<1x640x128xf32, #tpu.memory_space<hbm>> -> memref<640x128xf32, #tpu.memory_space<hbm>>
      %dma_start3A_39 = arith.constant 0 : i32
      %dma_start3A_40 = tpu.memref_slice %arg10[%mul3A_2, %dma_start3A_39] : memref<10240x128xf32, #tpu.memory_space<vmem_shared>> -> memref<640x128xf32, #tpu.memory_space<vmem_shared>>
      tpu.enqueue_dma source(%dma_start3A_40 : memref<640x128xf32, #tpu.memory_space<vmem_shared>>) target(%dma_start3A_38 : memref<640x128xf32, #tpu.memory_space<hbm>>) target_semaphore(%run_scoped3A : memref<!tpu.dma_semaphore, #tpu.memory_space<semaphore_mem>>)
      %dma_wait3A = arith.constant 0 : i32
      %dma_wait3A_41 = tpu.memref_slice %arg5[%arg0, %mul3A_2, %dma_wait3A] : memref<2x10240x128xf32, #tpu.memory_space<hbm>> -> memref<1x640x128xf32, #tpu.memory_space<hbm>>
      %dma_wait3A_42 = tpu.memref_squeeze %dma_wait3A_41 : memref<1x640x128xf32, #tpu.memory_space<hbm>> -> memref<640x128xf32, #tpu.memory_space<hbm>>
      %dma_wait3A_43 = arith.constant 0 : i32
      %dma_wait3A_44 = tpu.memref_slice %arg10[%mul3A_2, %dma_wait3A_43] : memref<10240x128xf32, #tpu.memory_space<vmem_shared>> -> memref<640x128xf32, #tpu.memory_space<vmem_shared>>
      tpu.wait_dma2 semaphore(%run_scoped3A : memref<!tpu.dma_semaphore, #tpu.memory_space<semaphore_mem>>) src(%dma_wait3A_44 : memref<640x128xf32, #tpu.memory_space<vmem_shared>>) dst(%dma_wait3A_42 : memref<640x128xf32, #tpu.memory_space<hbm>>)
      tpu.yield
    }) : () -> ()
    return
  }
}

#map = affine_map<(d0, d1) -> (0, 0, 0, 0)>
#map1 = affine_map<(d0, d1) -> (0, 0, 0)>
module attributes {stable_mosaic.version = 14 : i64} {
  func.func @_deg_kernel(%arg0: i32, %arg1: i32, %arg2: memref<2x16x157x128xi32, #tpu.memory_space<hbm>>, %arg3: memref<2x10240x128xf32, #tpu.memory_space<hbm>>, %arg4: memref<157x128xi32, #tpu.memory_space<vmem>>, %arg5: memref<128x128xf32, #tpu.memory_space<vmem>>, %arg6: memref<64x128xf32, #tpu.memory_space<vmem>>, %arg7: memref<10240x128xf32, #tpu.memory_space<vmem_shared>>) attributes {dimension_semantics = [#tpu.dimension_semantics<core_parallel>, #tpu.dimension_semantics<subcore_parallel>], iteration_bounds = array<i64: 2, 16>, scalar_prefetch = 0 : i64, scratch_operands = 4 : i64, tpu.core_type = #tpu.core_type<sc_vector_subcore>, window_params = [{transform_indices = #map}, {transform_indices = #map1}]} {
    %mul3A = arith.constant 640 : i32
    %mul3A_0 = arith.muli %arg1, %mul3A : i32
    %scan3A = arith.constant 0 : i32
    %scan3A_1 = arith.constant 0 : i32
    %scan3A_2 = arith.constant 128 : i32
    %scan3A_3 = arith.addi %scan3A_1, %scan3A_2 : i32
    %scan3A_4 = arith.constant 1 : i32
    %scan3A_5 = scf.for %scan3A_41 = %scan3A_1 to %scan3A_3 step %scan3A_4 iter_args(%scan3A_42 = %scan3A) -> (i32)  : i32 {
      %broadcast_in_dim3A = arith.constant 1.000000e+00 : f32
      %broadcast_in_dim3A_43 = vector.broadcast %broadcast_in_dim3A : f32 to vector<16xf32>
      %swap3A = arith.index_cast %scan3A_41 : i32 to index
      %swap3A_44 = arith.constant 0 : index
      %swap3A_45 = tpu.vector_load %arg5[%swap3A, %swap3A_44] {strides = array<i32>} : memref<128x128xf32, #tpu.memory_space<vmem>>, vector<1x16xf32>,
      %swap3A_46 = vector.shape_cast %swap3A_45 : vector<1x16xf32> to vector<16xf32>
      %swap3A_47 = vector.shape_cast %broadcast_in_dim3A_43 : vector<16xf32> to vector<1x16xf32>
      tpu.vector_store %arg5[%swap3A, %swap3A_44], %swap3A_47 {strides = array<i32>} : memref<128x128xf32, #tpu.memory_space<vmem>>, vector<1x16xf32>,
      %broadcast_in_dim3A_48 = arith.constant 1.000000e+00 : f32
      %broadcast_in_dim3A_49 = vector.broadcast %broadcast_in_dim3A_48 : f32 to vector<16xf32>
      %swap3A_50 = arith.index_cast %scan3A_41 : i32 to index
      %swap3A_51 = arith.constant 16 : index
      %swap3A_52 = tpu.vector_load %arg5[%swap3A_50, %swap3A_51] {strides = array<i32>} : memref<128x128xf32, #tpu.memory_space<vmem>>, vector<1x16xf32>,
      %swap3A_53 = vector.shape_cast %swap3A_52 : vector<1x16xf32> to vector<16xf32>
      %swap3A_54 = vector.shape_cast %broadcast_in_dim3A_49 : vector<16xf32> to vector<1x16xf32>
      tpu.vector_store %arg5[%swap3A_50, %swap3A_51], %swap3A_54 {strides = array<i32>} : memref<128x128xf32, #tpu.memory_space<vmem>>, vector<1x16xf32>,
      %broadcast_in_dim3A_55 = arith.constant 1.000000e+00 : f32
      %broadcast_in_dim3A_56 = vector.broadcast %broadcast_in_dim3A_55 : f32 to vector<16xf32>
      %swap3A_57 = arith.index_cast %scan3A_41 : i32 to index
      %swap3A_58 = arith.constant 32 : index
      %swap3A_59 = tpu.vector_load %arg5[%swap3A_57, %swap3A_58] {strides = array<i32>} : memref<128x128xf32, #tpu.memory_space<vmem>>, vector<1x16xf32>,
      %swap3A_60 = vector.shape_cast %swap3A_59 : vector<1x16xf32> to vector<16xf32>
      %swap3A_61 = vector.shape_cast %broadcast_in_dim3A_56 : vector<16xf32> to vector<1x16xf32>
      tpu.vector_store %arg5[%swap3A_57, %swap3A_58], %swap3A_61 {strides = array<i32>} : memref<128x128xf32, #tpu.memory_space<vmem>>, vector<1x16xf32>,
      %broadcast_in_dim3A_62 = arith.constant 1.000000e+00 : f32
      %broadcast_in_dim3A_63 = vector.broadcast %broadcast_in_dim3A_62 : f32 to vector<16xf32>
      %swap3A_64 = arith.index_cast %scan3A_41 : i32 to index
      %swap3A_65 = arith.constant 48 : index
      %swap3A_66 = tpu.vector_load %arg5[%swap3A_64, %swap3A_65] {strides = array<i32>} : memref<128x128xf32, #tpu.memory_space<vmem>>, vector<1x16xf32>,
      %swap3A_67 = vector.shape_cast %swap3A_66 : vector<1x16xf32> to vector<16xf32>
      %swap3A_68 = vector.shape_cast %broadcast_in_dim3A_63 : vector<16xf32> to vector<1x16xf32>
      tpu.vector_store %arg5[%swap3A_64, %swap3A_65], %swap3A_68 {strides = array<i32>} : memref<128x128xf32, #tpu.memory_space<vmem>>, vector<1x16xf32>,
      %broadcast_in_dim3A_69 = arith.constant 1.000000e+00 : f32
      %broadcast_in_dim3A_70 = vector.broadcast %broadcast_in_dim3A_69 : f32 to vector<16xf32>
      %swap3A_71 = arith.index_cast %scan3A_41 : i32 to index
      %swap3A_72 = arith.constant 64 : index
      %swap3A_73 = tpu.vector_load %arg5[%swap3A_71, %swap3A_72] {strides = array<i32>} : memref<128x128xf32, #tpu.memory_space<vmem>>, vector<1x16xf32>,
      %swap3A_74 = vector.shape_cast %swap3A_73 : vector<1x16xf32> to vector<16xf32>
      %swap3A_75 = vector.shape_cast %broadcast_in_dim3A_70 : vector<16xf32> to vector<1x16xf32>
      tpu.vector_store %arg5[%swap3A_71, %swap3A_72], %swap3A_75 {strides = array<i32>} : memref<128x128xf32, #tpu.memory_space<vmem>>, vector<1x16xf32>,
      %broadcast_in_dim3A_76 = arith.constant 1.000000e+00 : f32
      %broadcast_in_dim3A_77 = vector.broadcast %broadcast_in_dim3A_76 : f32 to vector<16xf32>
      %swap3A_78 = arith.index_cast %scan3A_41 : i32 to index
      %swap3A_79 = arith.constant 80 : index
      %swap3A_80 = tpu.vector_load %arg5[%swap3A_78, %swap3A_79] {strides = array<i32>} : memref<128x128xf32, #tpu.memory_space<vmem>>, vector<1x16xf32>,
      %swap3A_81 = vector.shape_cast %swap3A_80 : vector<1x16xf32> to vector<16xf32>
      %swap3A_82 = vector.shape_cast %broadcast_in_dim3A_77 : vector<16xf32> to vector<1x16xf32>
      tpu.vector_store %arg5[%swap3A_78, %swap3A_79], %swap3A_82 {strides = array<i32>} : memref<128x128xf32, #tpu.memory_space<vmem>>, vector<1x16xf32>,
      %broadcast_in_dim3A_83 = arith.constant 1.000000e+00 : f32
      %broadcast_in_dim3A_84 = vector.broadcast %broadcast_in_dim3A_83 : f32 to vector<16xf32>
      %swap3A_85 = arith.index_cast %scan3A_41 : i32 to index
      %swap3A_86 = arith.constant 96 : index
      %swap3A_87 = tpu.vector_load %arg5[%swap3A_85, %swap3A_86] {strides = array<i32>} : memref<128x128xf32, #tpu.memory_space<vmem>>, vector<1x16xf32>,
      %swap3A_88 = vector.shape_cast %swap3A_87 : vector<1x16xf32> to vector<16xf32>
      %swap3A_89 = vector.shape_cast %broadcast_in_dim3A_84 : vector<16xf32> to vector<1x16xf32>
      tpu.vector_store %arg5[%swap3A_85, %swap3A_86], %swap3A_89 {strides = array<i32>} : memref<128x128xf32, #tpu.memory_space<vmem>>, vector<1x16xf32>,
      %broadcast_in_dim3A_90 = arith.constant 1.000000e+00 : f32
      %broadcast_in_dim3A_91 = vector.broadcast %broadcast_in_dim3A_90 : f32 to vector<16xf32>
      %swap3A_92 = arith.index_cast %scan3A_41 : i32 to index
      %swap3A_93 = arith.constant 112 : index
      %swap3A_94 = tpu.vector_load %arg5[%swap3A_92, %swap3A_93] {strides = array<i32>} : memref<128x128xf32, #tpu.memory_space<vmem>>, vector<1x16xf32>,
      %swap3A_95 = vector.shape_cast %swap3A_94 : vector<1x16xf32> to vector<16xf32>
      %swap3A_96 = vector.shape_cast %broadcast_in_dim3A_91 : vector<16xf32> to vector<1x16xf32>
      tpu.vector_store %arg5[%swap3A_92, %swap3A_93], %swap3A_96 {strides = array<i32>} : memref<128x128xf32, #tpu.memory_space<vmem>>, vector<1x16xf32>,
      %scan3A_97 = arith.constant 0 : i32
      scf.yield %scan3A_97 : i32
    }
    %scan3A_6 = arith.constant 128 : i32
    %scan3A_7 = arith.constant 0 : i32
    %scan3A_8 = arith.constant 0 : i32
    %scan3A_9 = arith.constant 64 : i32
    %scan3A_10 = arith.addi %scan3A_8, %scan3A_9 : i32
    %scan3A_11 = arith.constant 1 : i32
    %scan3A_12 = scf.for %scan3A_41 = %scan3A_8 to %scan3A_10 step %scan3A_11 iter_args(%scan3A_42 = %scan3A_7) -> (i32)  : i32 {
      %broadcast_in_dim3A = arith.constant 0.000000e+00 : f32
      %broadcast_in_dim3A_43 = vector.broadcast %broadcast_in_dim3A : f32 to vector<16xf32>
      %swap3A = arith.index_cast %scan3A_41 : i32 to index
      %swap3A_44 = arith.constant 0 : index
      %swap3A_45 = tpu.vector_load %arg6[%swap3A, %swap3A_44] {strides = array<i32>} : memref<64x128xf32, #tpu.memory_space<vmem>>, vector<1x16xf32>,
      %swap3A_46 = vector.shape_cast %swap3A_45 : vector<1x16xf32> to vector<16xf32>
      %swap3A_47 = vector.shape_cast %broadcast_in_dim3A_43 : vector<16xf32> to vector<1x16xf32>
      tpu.vector_store %arg6[%swap3A, %swap3A_44], %swap3A_47 {strides = array<i32>} : memref<64x128xf32, #tpu.memory_space<vmem>>, vector<1x16xf32>,
      %broadcast_in_dim3A_48 = arith.constant 0.000000e+00 : f32
      %broadcast_in_dim3A_49 = vector.broadcast %broadcast_in_dim3A_48 : f32 to vector<16xf32>
      %swap3A_50 = arith.index_cast %scan3A_41 : i32 to index
      %swap3A_51 = arith.constant 16 : index
      %swap3A_52 = tpu.vector_load %arg6[%swap3A_50, %swap3A_51] {strides = array<i32>} : memref<64x128xf32, #tpu.memory_space<vmem>>, vector<1x16xf32>,
      %swap3A_53 = vector.shape_cast %swap3A_52 : vector<1x16xf32> to vector<16xf32>
      %swap3A_54 = vector.shape_cast %broadcast_in_dim3A_49 : vector<16xf32> to vector<1x16xf32>
      tpu.vector_store %arg6[%swap3A_50, %swap3A_51], %swap3A_54 {strides = array<i32>} : memref<64x128xf32, #tpu.memory_space<vmem>>, vector<1x16xf32>,
      %broadcast_in_dim3A_55 = arith.constant 0.000000e+00 : f32
      %broadcast_in_dim3A_56 = vector.broadcast %broadcast_in_dim3A_55 : f32 to vector<16xf32>
      %swap3A_57 = arith.index_cast %scan3A_41 : i32 to index
      %swap3A_58 = arith.constant 32 : index
      %swap3A_59 = tpu.vector_load %arg6[%swap3A_57, %swap3A_58] {strides = array<i32>} : memref<64x128xf32, #tpu.memory_space<vmem>>, vector<1x16xf32>,
      %swap3A_60 = vector.shape_cast %swap3A_59 : vector<1x16xf32> to vector<16xf32>
      %swap3A_61 = vector.shape_cast %broadcast_in_dim3A_56 : vector<16xf32> to vector<1x16xf32>
      tpu.vector_store %arg6[%swap3A_57, %swap3A_58], %swap3A_61 {strides = array<i32>} : memref<64x128xf32, #tpu.memory_space<vmem>>, vector<1x16xf32>,
      %broadcast_in_dim3A_62 = arith.constant 0.000000e+00 : f32
      %broadcast_in_dim3A_63 = vector.broadcast %broadcast_in_dim3A_62 : f32 to vector<16xf32>
      %swap3A_64 = arith.index_cast %scan3A_41 : i32 to index
      %swap3A_65 = arith.constant 48 : index
      %swap3A_66 = tpu.vector_load %arg6[%swap3A_64, %swap3A_65] {strides = array<i32>} : memref<64x128xf32, #tpu.memory_space<vmem>>, vector<1x16xf32>,
      %swap3A_67 = vector.shape_cast %swap3A_66 : vector<1x16xf32> to vector<16xf32>
      %swap3A_68 = vector.shape_cast %broadcast_in_dim3A_63 : vector<16xf32> to vector<1x16xf32>
      tpu.vector_store %arg6[%swap3A_64, %swap3A_65], %swap3A_68 {strides = array<i32>} : memref<64x128xf32, #tpu.memory_space<vmem>>, vector<1x16xf32>,
      %broadcast_in_dim3A_69 = arith.constant 0.000000e+00 : f32
      %broadcast_in_dim3A_70 = vector.broadcast %broadcast_in_dim3A_69 : f32 to vector<16xf32>
      %swap3A_71 = arith.index_cast %scan3A_41 : i32 to index
      %swap3A_72 = arith.constant 64 : index
      %swap3A_73 = tpu.vector_load %arg6[%swap3A_71, %swap3A_72] {strides = array<i32>} : memref<64x128xf32, #tpu.memory_space<vmem>>, vector<1x16xf32>,
      %swap3A_74 = vector.shape_cast %swap3A_73 : vector<1x16xf32> to vector<16xf32>
      %swap3A_75 = vector.shape_cast %broadcast_in_dim3A_70 : vector<16xf32> to vector<1x16xf32>
      tpu.vector_store %arg6[%swap3A_71, %swap3A_72], %swap3A_75 {strides = array<i32>} : memref<64x128xf32, #tpu.memory_space<vmem>>, vector<1x16xf32>,
      %broadcast_in_dim3A_76 = arith.constant 0.000000e+00 : f32
      %broadcast_in_dim3A_77 = vector.broadcast %broadcast_in_dim3A_76 : f32 to vector<16xf32>
      %swap3A_78 = arith.index_cast %scan3A_41 : i32 to index
      %swap3A_79 = arith.constant 80 : index
      %swap3A_80 = tpu.vector_load %arg6[%swap3A_78, %swap3A_79] {strides = array<i32>} : memref<64x128xf32, #tpu.memory_space<vmem>>, vector<1x16xf32>,
      %swap3A_81 = vector.shape_cast %swap3A_80 : vector<1x16xf32> to vector<16xf32>
      %swap3A_82 = vector.shape_cast %broadcast_in_dim3A_77 : vector<16xf32> to vector<1x16xf32>
      tpu.vector_store %arg6[%swap3A_78, %swap3A_79], %swap3A_82 {strides = array<i32>} : memref<64x128xf32, #tpu.memory_space<vmem>>, vector<1x16xf32>,
      %broadcast_in_dim3A_83 = arith.constant 0.000000e+00 : f32
      %broadcast_in_dim3A_84 = vector.broadcast %broadcast_in_dim3A_83 : f32 to vector<16xf32>
      %swap3A_85 = arith.index_cast %scan3A_41 : i32 to index
      %swap3A_86 = arith.constant 96 : index
      %swap3A_87 = tpu.vector_load %arg6[%swap3A_85, %swap3A_86] {strides = array<i32>} : memref<64x128xf32, #tpu.memory_space<vmem>>, vector<1x16xf32>,
      %swap3A_88 = vector.shape_cast %swap3A_87 : vector<1x16xf32> to vector<16xf32>
      %swap3A_89 = vector.shape_cast %broadcast_in_dim3A_84 : vector<16xf32> to vector<1x16xf32>
      tpu.vector_store %arg6[%swap3A_85, %swap3A_86], %swap3A_89 {strides = array<i32>} : memref<64x128xf32, #tpu.memory_space<vmem>>, vector<1x16xf32>,
      %broadcast_in_dim3A_90 = arith.constant 0.000000e+00 : f32
      %broadcast_in_dim3A_91 = vector.broadcast %broadcast_in_dim3A_90 : f32 to vector<16xf32>
      %swap3A_92 = arith.index_cast %scan3A_41 : i32 to index
      %swap3A_93 = arith.constant 112 : index
      %swap3A_94 = tpu.vector_load %arg6[%swap3A_92, %swap3A_93] {strides = array<i32>} : memref<64x128xf32, #tpu.memory_space<vmem>>, vector<1x16xf32>,
      %swap3A_95 = vector.shape_cast %swap3A_94 : vector<1x16xf32> to vector<16xf32>
      %swap3A_96 = vector.shape_cast %broadcast_in_dim3A_91 : vector<16xf32> to vector<1x16xf32>
      tpu.vector_store %arg6[%swap3A_92, %swap3A_93], %swap3A_96 {strides = array<i32>} : memref<64x128xf32, #tpu.memory_space<vmem>>, vector<1x16xf32>,
      %scan3A_97 = arith.constant 0 : i32
      scf.yield %scan3A_97 : i32
    }
    %scan3A_13 = arith.constant 64 : i32
    %add3A = arith.constant 0 : i32
    %add3A_14 = arith.addi %mul3A_0, %add3A : i32
    "tpu.region"() ({
      %run_scoped3A = tpu.sem_alloc : memref<!tpu.dma_semaphore, #tpu.memory_space<semaphore_mem>>
      %dma_start3A = arith.constant 0 : i32
      %dma_start3A_41 = tpu.memref_slice %arg7[%add3A_14, %dma_start3A] : memref<10240x128xf32, #tpu.memory_space<vmem_shared>> -> memref<64x128xf32, #tpu.memory_space<vmem_shared>>
      %dma_start3A_42 = arith.constant 0 : i32
      %dma_start3A_43 = tpu.memref_slice %arg7[%add3A_14, %dma_start3A_42] : memref<10240x128xf32, #tpu.memory_space<vmem_shared>> -> memref<64x128xf32, #tpu.memory_space<vmem_shared>>
      tpu.enqueue_dma source(%arg6 : memref<64x128xf32, #tpu.memory_space<vmem>>) target(%dma_start3A_43 : memref<64x128xf32, #tpu.memory_space<vmem_shared>>) target_semaphore(%run_scoped3A : memref<!tpu.dma_semaphore, #tpu.memory_space<semaphore_mem>>)
      %dma_wait3A = arith.constant 0 : i32
      %dma_wait3A_44 = tpu.memref_slice %arg7[%add3A_14, %dma_wait3A] : memref<10240x128xf32, #tpu.memory_space<vmem_shared>> -> memref<64x128xf32, #tpu.memory_space<vmem_shared>>
      %dma_wait3A_45 = arith.constant 0 : i32
      %dma_wait3A_46 = tpu.memref_slice %arg7[%add3A_14, %dma_wait3A_45] : memref<10240x128xf32, #tpu.memory_space<vmem_shared>> -> memref<64x128xf32, #tpu.memory_space<vmem_shared>>
      tpu.wait_dma2 semaphore(%run_scoped3A : memref<!tpu.dma_semaphore, #tpu.memory_space<semaphore_mem>>) src(%arg6 : memref<64x128xf32, #tpu.memory_space<vmem>>) dst(%dma_wait3A_46 : memref<64x128xf32, #tpu.memory_space<vmem_shared>>)
      tpu.yield
    }) : () -> ()
    %add3A_15 = arith.constant 64 : i32
    %add3A_16 = arith.addi %mul3A_0, %add3A_15 : i32
    "tpu.region"() ({
      %run_scoped3A = tpu.sem_alloc : memref<!tpu.dma_semaphore, #tpu.memory_space<semaphore_mem>>
      %dma_start3A = arith.constant 0 : i32
      %dma_start3A_41 = tpu.memref_slice %arg7[%add3A_16, %dma_start3A] : memref<10240x128xf32, #tpu.memory_space<vmem_shared>> -> memref<64x128xf32, #tpu.memory_space<vmem_shared>>
      %dma_start3A_42 = arith.constant 0 : i32
      %dma_start3A_43 = tpu.memref_slice %arg7[%add3A_16, %dma_start3A_42] : memref<10240x128xf32, #tpu.memory_space<vmem_shared>> -> memref<64x128xf32, #tpu.memory_space<vmem_shared>>
      tpu.enqueue_dma source(%arg6 : memref<64x128xf32, #tpu.memory_space<vmem>>) target(%dma_start3A_43 : memref<64x128xf32, #tpu.memory_space<vmem_shared>>) target_semaphore(%run_scoped3A : memref<!tpu.dma_semaphore, #tpu.memory_space<semaphore_mem>>)
      %dma_wait3A = arith.constant 0 : i32
      %dma_wait3A_44 = tpu.memref_slice %arg7[%add3A_16, %dma_wait3A] : memref<10240x128xf32, #tpu.memory_space<vmem_shared>> -> memref<64x128xf32, #tpu.memory_space<vmem_shared>>
      %dma_wait3A_45 = arith.constant 0 : i32
      %dma_wait3A_46 = tpu.memref_slice %arg7[%add3A_16, %dma_wait3A_45] : memref<10240x128xf32, #tpu.memory_space<vmem_shared>> -> memref<64x128xf32, #tpu.memory_space<vmem_shared>>
      tpu.wait_dma2 semaphore(%run_scoped3A : memref<!tpu.dma_semaphore, #tpu.memory_space<semaphore_mem>>) src(%arg6 : memref<64x128xf32, #tpu.memory_space<vmem>>) dst(%dma_wait3A_46 : memref<64x128xf32, #tpu.memory_space<vmem_shared>>)
      tpu.yield
    }) : () -> ()
    %add3A_17 = arith.constant 128 : i32
    %add3A_18 = arith.addi %mul3A_0, %add3A_17 : i32
    "tpu.region"() ({
      %run_scoped3A = tpu.sem_alloc : memref<!tpu.dma_semaphore, #tpu.memory_space<semaphore_mem>>
      %dma_start3A = arith.constant 0 : i32
      %dma_start3A_41 = tpu.memref_slice %arg7[%add3A_18, %dma_start3A] : memref<10240x128xf32, #tpu.memory_space<vmem_shared>> -> memref<64x128xf32, #tpu.memory_space<vmem_shared>>
      %dma_start3A_42 = arith.constant 0 : i32
      %dma_start3A_43 = tpu.memref_slice %arg7[%add3A_18, %dma_start3A_42] : memref<10240x128xf32, #tpu.memory_space<vmem_shared>> -> memref<64x128xf32, #tpu.memory_space<vmem_shared>>
      tpu.enqueue_dma source(%arg6 : memref<64x128xf32, #tpu.memory_space<vmem>>) target(%dma_start3A_43 : memref<64x128xf32, #tpu.memory_space<vmem_shared>>) target_semaphore(%run_scoped3A : memref<!tpu.dma_semaphore, #tpu.memory_space<semaphore_mem>>)
      %dma_wait3A = arith.constant 0 : i32
      %dma_wait3A_44 = tpu.memref_slice %arg7[%add3A_18, %dma_wait3A] : memref<10240x128xf32, #tpu.memory_space<vmem_shared>> -> memref<64x128xf32, #tpu.memory_space<vmem_shared>>
      %dma_wait3A_45 = arith.constant 0 : i32
      %dma_wait3A_46 = tpu.memref_slice %arg7[%add3A_18, %dma_wait3A_45] : memref<10240x128xf32, #tpu.memory_space<vmem_shared>> -> memref<64x128xf32, #tpu.memory_space<vmem_shared>>
      tpu.wait_dma2 semaphore(%run_scoped3A : memref<!tpu.dma_semaphore, #tpu.memory_space<semaphore_mem>>) src(%arg6 : memref<64x128xf32, #tpu.memory_space<vmem>>) dst(%dma_wait3A_46 : memref<64x128xf32, #tpu.memory_space<vmem_shared>>)
      tpu.yield
    }) : () -> ()
    %add3A_19 = arith.constant 192 : i32
    %add3A_20 = arith.addi %mul3A_0, %add3A_19 : i32
    "tpu.region"() ({
      %run_scoped3A = tpu.sem_alloc : memref<!tpu.dma_semaphore, #tpu.memory_space<semaphore_mem>>
      %dma_start3A = arith.constant 0 : i32
      %dma_start3A_41 = tpu.memref_slice %arg7[%add3A_20, %dma_start3A] : memref<10240x128xf32, #tpu.memory_space<vmem_shared>> -> memref<64x128xf32, #tpu.memory_space<vmem_shared>>
      %dma_start3A_42 = arith.constant 0 : i32
      %dma_start3A_43 = tpu.memref_slice %arg7[%add3A_20, %dma_start3A_42] : memref<10240x128xf32, #tpu.memory_space<vmem_shared>> -> memref<64x128xf32, #tpu.memory_space<vmem_shared>>
      tpu.enqueue_dma source(%arg6 : memref<64x128xf32, #tpu.memory_space<vmem>>) target(%dma_start3A_43 : memref<64x128xf32, #tpu.memory_space<vmem_shared>>) target_semaphore(%run_scoped3A : memref<!tpu.dma_semaphore, #tpu.memory_space<semaphore_mem>>)
      %dma_wait3A = arith.constant 0 : i32
      %dma_wait3A_44 = tpu.memref_slice %arg7[%add3A_20, %dma_wait3A] : memref<10240x128xf32, #tpu.memory_space<vmem_shared>> -> memref<64x128xf32, #tpu.memory_space<vmem_shared>>
      %dma_wait3A_45 = arith.constant 0 : i32
      %dma_wait3A_46 = tpu.memref_slice %arg7[%add3A_20, %dma_wait3A_45] : memref<10240x128xf32, #tpu.memory_space<vmem_shared>> -> memref<64x128xf32, #tpu.memory_space<vmem_shared>>
      tpu.wait_dma2 semaphore(%run_scoped3A : memref<!tpu.dma_semaphore, #tpu.memory_space<semaphore_mem>>) src(%arg6 : memref<64x128xf32, #tpu.memory_space<vmem>>) dst(%dma_wait3A_46 : memref<64x128xf32, #tpu.memory_space<vmem_shared>>)
      tpu.yield
    }) : () -> ()
    %add3A_21 = arith.constant 256 : i32
    %add3A_22 = arith.addi %mul3A_0, %add3A_21 : i32
    "tpu.region"() ({
      %run_scoped3A = tpu.sem_alloc : memref<!tpu.dma_semaphore, #tpu.memory_space<semaphore_mem>>
      %dma_start3A = arith.constant 0 : i32
      %dma_start3A_41 = tpu.memref_slice %arg7[%add3A_22, %dma_start3A] : memref<10240x128xf32, #tpu.memory_space<vmem_shared>> -> memref<64x128xf32, #tpu.memory_space<vmem_shared>>
      %dma_start3A_42 = arith.constant 0 : i32
      %dma_start3A_43 = tpu.memref_slice %arg7[%add3A_22, %dma_start3A_42] : memref<10240x128xf32, #tpu.memory_space<vmem_shared>> -> memref<64x128xf32, #tpu.memory_space<vmem_shared>>
      tpu.enqueue_dma source(%arg6 : memref<64x128xf32, #tpu.memory_space<vmem>>) target(%dma_start3A_43 : memref<64x128xf32, #tpu.memory_space<vmem_shared>>) target_semaphore(%run_scoped3A : memref<!tpu.dma_semaphore, #tpu.memory_space<semaphore_mem>>)
      %dma_wait3A = arith.constant 0 : i32
      %dma_wait3A_44 = tpu.memref_slice %arg7[%add3A_22, %dma_wait3A] : memref<10240x128xf32, #tpu.memory_space<vmem_shared>> -> memref<64x128xf32, #tpu.memory_space<vmem_shared>>
      %dma_wait3A_45 = arith.constant 0 : i32
      %dma_wait3A_46 = tpu.memref_slice %arg7[%add3A_22, %dma_wait3A_45] : memref<10240x128xf32, #tpu.memory_space<vmem_shared>> -> memref<64x128xf32, #tpu.memory_space<vmem_shared>>
      tpu.wait_dma2 semaphore(%run_scoped3A : memref<!tpu.dma_semaphore, #tpu.memory_space<semaphore_mem>>) src(%arg6 : memref<64x128xf32, #tpu.memory_space<vmem>>) dst(%dma_wait3A_46 : memref<64x128xf32, #tpu.memory_space<vmem_shared>>)
      tpu.yield
    }) : () -> ()
    %add3A_23 = arith.constant 320 : i32
    %add3A_24 = arith.addi %mul3A_0, %add3A_23 : i32
    "tpu.region"() ({
      %run_scoped3A = tpu.sem_alloc : memref<!tpu.dma_semaphore, #tpu.memory_space<semaphore_mem>>
      %dma_start3A = arith.constant 0 : i32
      %dma_start3A_41 = tpu.memref_slice %arg7[%add3A_24, %dma_start3A] : memref<10240x128xf32, #tpu.memory_space<vmem_shared>> -> memref<64x128xf32, #tpu.memory_space<vmem_shared>>
      %dma_start3A_42 = arith.constant 0 : i32
      %dma_start3A_43 = tpu.memref_slice %arg7[%add3A_24, %dma_start3A_42] : memref<10240x128xf32, #tpu.memory_space<vmem_shared>> -> memref<64x128xf32, #tpu.memory_space<vmem_shared>>
      tpu.enqueue_dma source(%arg6 : memref<64x128xf32, #tpu.memory_space<vmem>>) target(%dma_start3A_43 : memref<64x128xf32, #tpu.memory_space<vmem_shared>>) target_semaphore(%run_scoped3A : memref<!tpu.dma_semaphore, #tpu.memory_space<semaphore_mem>>)
      %dma_wait3A = arith.constant 0 : i32
      %dma_wait3A_44 = tpu.memref_slice %arg7[%add3A_24, %dma_wait3A] : memref<10240x128xf32, #tpu.memory_space<vmem_shared>> -> memref<64x128xf32, #tpu.memory_space<vmem_shared>>
      %dma_wait3A_45 = arith.constant 0 : i32
      %dma_wait3A_46 = tpu.memref_slice %arg7[%add3A_24, %dma_wait3A_45] : memref<10240x128xf32, #tpu.memory_space<vmem_shared>> -> memref<64x128xf32, #tpu.memory_space<vmem_shared>>
      tpu.wait_dma2 semaphore(%run_scoped3A : memref<!tpu.dma_semaphore, #tpu.memory_space<semaphore_mem>>) src(%arg6 : memref<64x128xf32, #tpu.memory_space<vmem>>) dst(%dma_wait3A_46 : memref<64x128xf32, #tpu.memory_space<vmem_shared>>)
      tpu.yield
    }) : () -> ()
    %add3A_25 = arith.constant 384 : i32
    %add3A_26 = arith.addi %mul3A_0, %add3A_25 : i32
    "tpu.region"() ({
      %run_scoped3A = tpu.sem_alloc : memref<!tpu.dma_semaphore, #tpu.memory_space<semaphore_mem>>
      %dma_start3A = arith.constant 0 : i32
      %dma_start3A_41 = tpu.memref_slice %arg7[%add3A_26, %dma_start3A] : memref<10240x128xf32, #tpu.memory_space<vmem_shared>> -> memref<64x128xf32, #tpu.memory_space<vmem_shared>>
      %dma_start3A_42 = arith.constant 0 : i32
      %dma_start3A_43 = tpu.memref_slice %arg7[%add3A_26, %dma_start3A_42] : memref<10240x128xf32, #tpu.memory_space<vmem_shared>> -> memref<64x128xf32, #tpu.memory_space<vmem_shared>>
      tpu.enqueue_dma source(%arg6 : memref<64x128xf32, #tpu.memory_space<vmem>>) target(%dma_start3A_43 : memref<64x128xf32, #tpu.memory_space<vmem_shared>>) target_semaphore(%run_scoped3A : memref<!tpu.dma_semaphore, #tpu.memory_space<semaphore_mem>>)
      %dma_wait3A = arith.constant 0 : i32
      %dma_wait3A_44 = tpu.memref_slice %arg7[%add3A_26, %dma_wait3A] : memref<10240x128xf32, #tpu.memory_space<vmem_shared>> -> memref<64x128xf32, #tpu.memory_space<vmem_shared>>
      %dma_wait3A_45 = arith.constant 0 : i32
      %dma_wait3A_46 = tpu.memref_slice %arg7[%add3A_26, %dma_wait3A_45] : memref<10240x128xf32, #tpu.memory_space<vmem_shared>> -> memref<64x128xf32, #tpu.memory_space<vmem_shared>>
      tpu.wait_dma2 semaphore(%run_scoped3A : memref<!tpu.dma_semaphore, #tpu.memory_space<semaphore_mem>>) src(%arg6 : memref<64x128xf32, #tpu.memory_space<vmem>>) dst(%dma_wait3A_46 : memref<64x128xf32, #tpu.memory_space<vmem_shared>>)
      tpu.yield
    }) : () -> ()
    %add3A_27 = arith.constant 448 : i32
    %add3A_28 = arith.addi %mul3A_0, %add3A_27 : i32
    "tpu.region"() ({
      %run_scoped3A = tpu.sem_alloc : memref<!tpu.dma_semaphore, #tpu.memory_space<semaphore_mem>>
      %dma_start3A = arith.constant 0 : i32
      %dma_start3A_41 = tpu.memref_slice %arg7[%add3A_28, %dma_start3A] : memref<10240x128xf32, #tpu.memory_space<vmem_shared>> -> memref<64x128xf32, #tpu.memory_space<vmem_shared>>
      %dma_start3A_42 = arith.constant 0 : i32
      %dma_start3A_43 = tpu.memref_slice %arg7[%add3A_28, %dma_start3A_42] : memref<10240x128xf32, #tpu.memory_space<vmem_shared>> -> memref<64x128xf32, #tpu.memory_space<vmem_shared>>
      tpu.enqueue_dma source(%arg6 : memref<64x128xf32, #tpu.memory_space<vmem>>) target(%dma_start3A_43 : memref<64x128xf32, #tpu.memory_space<vmem_shared>>) target_semaphore(%run_scoped3A : memref<!tpu.dma_semaphore, #tpu.memory_space<semaphore_mem>>)
      %dma_wait3A = arith.constant 0 : i32
      %dma_wait3A_44 = tpu.memref_slice %arg7[%add3A_28, %dma_wait3A] : memref<10240x128xf32, #tpu.memory_space<vmem_shared>> -> memref<64x128xf32, #tpu.memory_space<vmem_shared>>
      %dma_wait3A_45 = arith.constant 0 : i32
      %dma_wait3A_46 = tpu.memref_slice %arg7[%add3A_28, %dma_wait3A_45] : memref<10240x128xf32, #tpu.memory_space<vmem_shared>> -> memref<64x128xf32, #tpu.memory_space<vmem_shared>>
      tpu.wait_dma2 semaphore(%run_scoped3A : memref<!tpu.dma_semaphore, #tpu.memory_space<semaphore_mem>>) src(%arg6 : memref<64x128xf32, #tpu.memory_space<vmem>>) dst(%dma_wait3A_46 : memref<64x128xf32, #tpu.memory_space<vmem_shared>>)
      tpu.yield
    }) : () -> ()
    %add3A_29 = arith.constant 512 : i32
    %add3A_30 = arith.addi %mul3A_0, %add3A_29 : i32
    "tpu.region"() ({
      %run_scoped3A = tpu.sem_alloc : memref<!tpu.dma_semaphore, #tpu.memory_space<semaphore_mem>>
      %dma_start3A = arith.constant 0 : i32
      %dma_start3A_41 = tpu.memref_slice %arg7[%add3A_30, %dma_start3A] : memref<10240x128xf32, #tpu.memory_space<vmem_shared>> -> memref<64x128xf32, #tpu.memory_space<vmem_shared>>
      %dma_start3A_42 = arith.constant 0 : i32
      %dma_start3A_43 = tpu.memref_slice %arg7[%add3A_30, %dma_start3A_42] : memref<10240x128xf32, #tpu.memory_space<vmem_shared>> -> memref<64x128xf32, #tpu.memory_space<vmem_shared>>
      tpu.enqueue_dma source(%arg6 : memref<64x128xf32, #tpu.memory_space<vmem>>) target(%dma_start3A_43 : memref<64x128xf32, #tpu.memory_space<vmem_shared>>) target_semaphore(%run_scoped3A : memref<!tpu.dma_semaphore, #tpu.memory_space<semaphore_mem>>)
      %dma_wait3A = arith.constant 0 : i32
      %dma_wait3A_44 = tpu.memref_slice %arg7[%add3A_30, %dma_wait3A] : memref<10240x128xf32, #tpu.memory_space<vmem_shared>> -> memref<64x128xf32, #tpu.memory_space<vmem_shared>>
      %dma_wait3A_45 = arith.constant 0 : i32
      %dma_wait3A_46 = tpu.memref_slice %arg7[%add3A_30, %dma_wait3A_45] : memref<10240x128xf32, #tpu.memory_space<vmem_shared>> -> memref<64x128xf32, #tpu.memory_space<vmem_shared>>
      tpu.wait_dma2 semaphore(%run_scoped3A : memref<!tpu.dma_semaphore, #tpu.memory_space<semaphore_mem>>) src(%arg6 : memref<64x128xf32, #tpu.memory_space<vmem>>) dst(%dma_wait3A_46 : memref<64x128xf32, #tpu.memory_space<vmem_shared>>)
      tpu.yield
    }) : () -> ()
    %add3A_31 = arith.constant 576 : i32
    %add3A_32 = arith.addi %mul3A_0, %add3A_31 : i32
    "tpu.region"() ({
      %run_scoped3A = tpu.sem_alloc : memref<!tpu.dma_semaphore, #tpu.memory_space<semaphore_mem>>
      %dma_start3A = arith.constant 0 : i32
      %dma_start3A_41 = tpu.memref_slice %arg7[%add3A_32, %dma_start3A] : memref<10240x128xf32, #tpu.memory_space<vmem_shared>> -> memref<64x128xf32, #tpu.memory_space<vmem_shared>>
      %dma_start3A_42 = arith.constant 0 : i32
      %dma_start3A_43 = tpu.memref_slice %arg7[%add3A_32, %dma_start3A_42] : memref<10240x128xf32, #tpu.memory_space<vmem_shared>> -> memref<64x128xf32, #tpu.memory_space<vmem_shared>>
      tpu.enqueue_dma source(%arg6 : memref<64x128xf32, #tpu.memory_space<vmem>>) target(%dma_start3A_43 : memref<64x128xf32, #tpu.memory_space<vmem_shared>>) target_semaphore(%run_scoped3A : memref<!tpu.dma_semaphore, #tpu.memory_space<semaphore_mem>>)
      %dma_wait3A = arith.constant 0 : i32
      %dma_wait3A_44 = tpu.memref_slice %arg7[%add3A_32, %dma_wait3A] : memref<10240x128xf32, #tpu.memory_space<vmem_shared>> -> memref<64x128xf32, #tpu.memory_space<vmem_shared>>
      %dma_wait3A_45 = arith.constant 0 : i32
      %dma_wait3A_46 = tpu.memref_slice %arg7[%add3A_32, %dma_wait3A_45] : memref<10240x128xf32, #tpu.memory_space<vmem_shared>> -> memref<64x128xf32, #tpu.memory_space<vmem_shared>>
      tpu.wait_dma2 semaphore(%run_scoped3A : memref<!tpu.dma_semaphore, #tpu.memory_space<semaphore_mem>>) src(%arg6 : memref<64x128xf32, #tpu.memory_space<vmem>>) dst(%dma_wait3A_46 : memref<64x128xf32, #tpu.memory_space<vmem_shared>>)
      tpu.yield
    }) : () -> ()
    "tpu.region"() ({
      %run_scoped3A = tpu.sem_alloc : memref<!tpu.dma_semaphore, #tpu.memory_space<semaphore_mem>>
      %dma_start3A = arith.constant 0 : i32
      %dma_start3A_41 = arith.constant 0 : i32
      %dma_start3A_42 = tpu.memref_slice %arg2[%arg0, %arg1, %dma_start3A, %dma_start3A_41] : memref<2x16x157x128xi32, #tpu.memory_space<hbm>> -> memref<1x1x157x128xi32, #tpu.memory_space<hbm>>
      %dma_start3A_43 = tpu.memref_squeeze %dma_start3A_42 : memref<1x1x157x128xi32, #tpu.memory_space<hbm>> -> memref<157x128xi32, #tpu.memory_space<hbm>>
      %dma_start3A_44 = arith.constant 0 : i32
      %dma_start3A_45 = arith.constant 0 : i32
      %dma_start3A_46 = tpu.memref_slice %arg2[%arg0, %arg1, %dma_start3A_44, %dma_start3A_45] : memref<2x16x157x128xi32, #tpu.memory_space<hbm>> -> memref<1x1x157x128xi32, #tpu.memory_space<hbm>>
      %dma_start3A_47 = tpu.memref_squeeze %dma_start3A_46 : memref<1x1x157x128xi32, #tpu.memory_space<hbm>> -> memref<157x128xi32, #tpu.memory_space<hbm>>
      tpu.enqueue_dma source(%dma_start3A_47 : memref<157x128xi32, #tpu.memory_space<hbm>>) target(%arg4 : memref<157x128xi32, #tpu.memory_space<vmem>>) target_semaphore(%run_scoped3A : memref<!tpu.dma_semaphore, #tpu.memory_space<semaphore_mem>>)
      %dma_wait3A = arith.constant 0 : i32
      %dma_wait3A_48 = arith.constant 0 : i32
      %dma_wait3A_49 = tpu.memref_slice %arg2[%arg0, %arg1, %dma_wait3A, %dma_wait3A_48] : memref<2x16x157x128xi32, #tpu.memory_space<hbm>> -> memref<1x1x157x128xi32, #tpu.memory_space<hbm>>
      %dma_wait3A_50 = tpu.memref_squeeze %dma_wait3A_49 : memref<1x1x157x128xi32, #tpu.memory_space<hbm>> -> memref<157x128xi32, #tpu.memory_space<hbm>>
      %dma_wait3A_51 = arith.constant 0 : i32
      %dma_wait3A_52 = arith.constant 0 : i32
      %dma_wait3A_53 = tpu.memref_slice %arg2[%arg0, %arg1, %dma_wait3A_51, %dma_wait3A_52] : memref<2x16x157x128xi32, #tpu.memory_space<hbm>> -> memref<1x1x157x128xi32, #tpu.memory_space<hbm>>
      %dma_wait3A_54 = tpu.memref_squeeze %dma_wait3A_53 : memref<1x1x157x128xi32, #tpu.memory_space<hbm>> -> memref<157x128xi32, #tpu.memory_space<hbm>>
      tpu.wait_dma2 semaphore(%run_scoped3A : memref<!tpu.dma_semaphore, #tpu.memory_space<semaphore_mem>>) src(%dma_wait3A_54 : memref<157x128xi32, #tpu.memory_space<hbm>>) dst(%arg4 : memref<157x128xi32, #tpu.memory_space<vmem>>)
      tpu.yield
    }) : () -> ()
    %barrier3A = arith.constant 0 : index
    tpu.barrier barrier_id(%barrier3A)
    %scan3A_33 = arith.constant 0 : i32
    %scan3A_34 = arith.constant 0 : i32
    %scan3A_35 = arith.constant 157 : i32
    %scan3A_36 = arith.addi %scan3A_34, %scan3A_35 : i32
    %scan3A_37 = arith.constant 1 : i32
    %scan3A_38 = scf.for %scan3A_41 = %scan3A_34 to %scan3A_36 step %scan3A_37 iter_args(%scan3A_42 = %scan3A_33) -> (i32)  : i32 {
      "tpu.region"() ({
        %run_scoped3A = tpu.sem_alloc : memref<!tpu.dma_semaphore, #tpu.memory_space<semaphore_mem>>
        %dma_start3A = arith.constant 0 : i32
        %dma_start3A_44 = tpu.memref_slice %arg4[%scan3A_41, %dma_start3A] : memref<157x128xi32, #tpu.memory_space<vmem>> -> memref<1x128xi32, #tpu.memory_space<vmem>>
        %dma_start3A_45 = tpu.memref_squeeze %dma_start3A_44 : memref<1x128xi32, #tpu.memory_space<vmem>> -> memref<128xi32, #tpu.memory_space<vmem>>
        %dma_start3A_46 = arith.constant 0 : i32
        %dma_start3A_47 = arith.constant 0 : i32
        %dma_start3A_48 = tpu.memref_slice %arg7[%dma_start3A_46, %dma_start3A_47] : memref<10240x128xf32, #tpu.memory_space<vmem_shared>> -> memref<10240x128xf32, #tpu.memory_space<vmem_shared>>
        tpu.enqueue_indirect_dma source(%arg5 : memref<128x128xf32, #tpu.memory_space<vmem>>) target(%dma_start3A_48 : memref<10240x128xf32, #tpu.memory_space<vmem_shared>>) offsets(%dma_start3A_45 : memref<128xi32, #tpu.memory_space<vmem>>) semaphore(%run_scoped3A : memref<!tpu.dma_semaphore, #tpu.memory_space<semaphore_mem>>) {add = true}
        %dma_wait3A = arith.constant 0 : i32
        %dma_wait3A_49 = tpu.memref_slice %arg4[%scan3A_41, %dma_wait3A] : memref<157x128xi32, #tpu.memory_space<vmem>> -> memref<1x128xi32, #tpu.memory_space<vmem>>
        %dma_wait3A_50 = tpu.memref_squeeze %dma_wait3A_49 : memref<1x128xi32, #tpu.memory_space<vmem>> -> memref<128xi32, #tpu.memory_space<vmem>>
        %dma_wait3A_51 = arith.constant 0 : i32
        %dma_wait3A_52 = arith.constant 0 : i32
        %dma_wait3A_53 = tpu.memref_slice %arg7[%dma_wait3A_51, %dma_wait3A_52] : memref<10240x128xf32, #tpu.memory_space<vmem_shared>> -> memref<10240x128xf32, #tpu.memory_space<vmem_shared>>
        tpu.wait_indirect_dma semaphore(%run_scoped3A : memref<!tpu.dma_semaphore, #tpu.memory_space<semaphore_mem>>) src(%arg5 : memref<128x128xf32, #tpu.memory_space<vmem>>) dst(%dma_wait3A_53 : memref<10240x128xf32, #tpu.memory_space<vmem_shared>>)
        tpu.yield
      }) : () -> ()
      %scan3A_43 = arith.constant 0 : i32
      scf.yield %scan3A_43 : i32
    }
    %scan3A_39 = arith.constant 157 : i32
    %barrier3A_40 = arith.constant 0 : index
    tpu.barrier barrier_id(%barrier3A_40)
    "tpu.region"() ({
      %run_scoped3A = tpu.sem_alloc : memref<!tpu.dma_semaphore, #tpu.memory_space<semaphore_mem>>
      %dma_start3A = arith.constant 0 : i32
      %dma_start3A_41 = tpu.memref_slice %arg3[%arg0, %mul3A_0, %dma_start3A] : memref<2x10240x128xf32, #tpu.memory_space<hbm>> -> memref<1x640x128xf32, #tpu.memory_space<hbm>>
      %dma_start3A_42 = tpu.memref_squeeze %dma_start3A_41 : memref<1x640x128xf32, #tpu.memory_space<hbm>> -> memref<640x128xf32, #tpu.memory_space<hbm>>
      %dma_start3A_43 = arith.constant 0 : i32
      %dma_start3A_44 = tpu.memref_slice %arg7[%mul3A_0, %dma_start3A_43] : memref<10240x128xf32, #tpu.memory_space<vmem_shared>> -> memref<640x128xf32, #tpu.memory_space<vmem_shared>>
      tpu.enqueue_dma source(%dma_start3A_44 : memref<640x128xf32, #tpu.memory_space<vmem_shared>>) target(%dma_start3A_42 : memref<640x128xf32, #tpu.memory_space<hbm>>) target_semaphore(%run_scoped3A : memref<!tpu.dma_semaphore, #tpu.memory_space<semaphore_mem>>)
      %dma_wait3A = arith.constant 0 : i32
      %dma_wait3A_45 = tpu.memref_slice %arg3[%arg0, %mul3A_0, %dma_wait3A] : memref<2x10240x128xf32, #tpu.memory_space<hbm>> -> memref<1x640x128xf32, #tpu.memory_space<hbm>>
      %dma_wait3A_46 = tpu.memref_squeeze %dma_wait3A_45 : memref<1x640x128xf32, #tpu.memory_space<hbm>> -> memref<640x128xf32, #tpu.memory_space<hbm>>
      %dma_wait3A_47 = arith.constant 0 : i32
      %dma_wait3A_48 = tpu.memref_slice %arg7[%mul3A_0, %dma_wait3A_47] : memref<10240x128xf32, #tpu.memory_space<vmem_shared>> -> memref<640x128xf32, #tpu.memory_space<vmem_shared>>
      tpu.wait_dma2 semaphore(%run_scoped3A : memref<!tpu.dma_semaphore, #tpu.memory_space<semaphore_mem>>) src(%dma_wait3A_48 : memref<640x128xf32, #tpu.memory_space<vmem_shared>>) dst(%dma_wait3A_46 : memref<640x128xf32, #tpu.memory_space<hbm>>)
      tpu.yield
    }) : () -> ()
    return
  }
}

module attributes {stable_mosaic.version = 14 : i64} {
  func.func @_scale_body(%arg0: i32, %arg1: memref<1000x128xf32, #tpu.memory_space<vmem>>, %arg2: memref<2x1000x128xf32, #tpu.memory_space<vmem>>, %arg3: memref<1000x128xf32, #tpu.memory_space<vmem>>) attributes {dimension_semantics = [#tpu.dimension_semantics<arbitrary>], iteration_bounds = array<i64: 10>, scalar_prefetch = 0 : i64, scratch_operands = 0 : i64, tpu.core_type = #tpu.core_type<tc>, window_params = [{transform_indices = @transform_0, window_bounds = array<i64: 1000, 128>}, {transform_indices = @transform_1, window_bounds = array<i64: 2, 1000, 128>}, {transform_indices = @transform_2, window_bounds = array<i64: 1000, 128>}]} {
    %get3A = arith.constant 0 : index
    %get3A_0 = arith.constant 0 : index
    %get3A_1 = vector.load %arg1[%get3A, %get3A_0] : memref<1000x128xf32, #tpu.memory_space<vmem>>, vector<1000x128xf32>
    %get3A_2 = arith.constant 0 : index
    %get3A_3 = arith.constant 0 : index
    %get3A_4 = arith.constant 0 : index
    %get3A_5 = vector.load %arg2[%get3A_2, %get3A_3, %get3A_4] : memref<2x1000x128xf32, #tpu.memory_space<vmem>>, vector<1x1000x1xf32>
    %get3A_6 = vector.shape_cast %get3A_5 : vector<1x1000x1xf32> to vector<1000x1xf32>
    %max3A = arith.constant 1.000000e+00 : f32
    %max3A_7 = vector.broadcast %max3A : f32 to vector<1000x1xf32>
    %max3A_8 = arith.maximumf %get3A_6, %max3A_7 : vector<1000x1xf32>
    %rsqrt3A = math.rsqrt %max3A_8 : vector<1000x1xf32>
    %mul3A = vector.broadcast %rsqrt3A : vector<1000x1xf32> to vector<1000x128xf32>
    %mul3A_9 = arith.mulf %get3A_1, %mul3A : vector<1000x128xf32>
    %swap3A = arith.constant 0 : index
    %swap3A_10 = arith.constant 0 : index
    %swap3A_11 = vector.load %arg3[%swap3A, %swap3A_10] : memref<1000x128xf32, #tpu.memory_space<vmem>>, vector<1000x128xf32>
    tpu.vector_store %arg3[%swap3A, %swap3A_10], %mul3A_9 {strides = array<i32>} : memref<1000x128xf32, #tpu.memory_space<vmem>>, vector<1000x128xf32>,
    return
  }
  func.func @transform_0(%arg0: i32) -> (i32, i32) {
    %c0_i32 = arith.constant 0 : i32
    %c0_i32_0 = arith.constant 0 : i32
    return %arg0, %c0_i32 : i32, i32
  }
  func.func @transform_1(%arg0: i32) -> (i32, i32, i32) {
    %c0_i32 = arith.constant 0 : i32
    %c0_i32_0 = arith.constant 0 : i32
    %c0_i32_1 = arith.constant 0 : i32
    return %c0_i32, %arg0, %c0_i32_0 : i32, i32, i32
  }
  func.func @transform_2(%arg0: i32) -> (i32, i32) {
    %c0_i32 = arith.constant 0 : i32
    %c0_i32_0 = arith.constant 0 : i32
    return %arg0, %c0_i32 : i32, i32
  }
}

module attributes {stable_mosaic.version = 14 : i64} {
  func.func @_mid_body(%arg0: i32, %arg1: memref<2x1000x128xf32, #tpu.memory_space<vmem>>, %arg2: memref<2x1000x128xf32, #tpu.memory_space<vmem>>, %arg3: memref<128x256xf32, #tpu.memory_space<vmem>>, %arg4: memref<1x256xf32, #tpu.memory_space<vmem>>, %arg5: memref<256x128xf32, #tpu.memory_space<vmem>>, %arg6: memref<1000x128xf32, #tpu.memory_space<vmem>>) attributes {dimension_semantics = [#tpu.dimension_semantics<arbitrary>], iteration_bounds = array<i64: 10>, scalar_prefetch = 0 : i64, scratch_operands = 0 : i64, tpu.core_type = #tpu.core_type<tc>, window_params = [{transform_indices = @transform_0, window_bounds = array<i64: 2, 1000, 128>}, {transform_indices = @transform_1, window_bounds = array<i64: 2, 1000, 128>}, {pipeline_mode = #tpu.pipeline_mode<synchronous>, transform_indices = @transform_2, window_bounds = array<i64: 128, 256>}, {pipeline_mode = #tpu.pipeline_mode<synchronous>, transform_indices = @transform_3, window_bounds = array<i64: 1, 256>}, {pipeline_mode = #tpu.pipeline_mode<synchronous>, transform_indices = @transform_4, window_bounds = array<i64: 256, 128>}, {transform_indices = @transform_5, window_bounds = array<i64: 1000, 128>}]} {
    %get3A = arith.constant 0 : index
    %get3A_0 = arith.constant 0 : index
    %get3A_1 = arith.constant 0 : index
    %get3A_2 = vector.load %arg1[%get3A, %get3A_0, %get3A_1] : memref<2x1000x128xf32, #tpu.memory_space<vmem>>, vector<1x1000x128xf32>
    %get3A_3 = vector.shape_cast %get3A_2 : vector<1x1000x128xf32> to vector<1000x128xf32>
    %get3A_4 = arith.constant 1 : index
    %get3A_5 = arith.constant 0 : index
    %get3A_6 = arith.constant 0 : index
    %get3A_7 = vector.load %arg1[%get3A_4, %get3A_5, %get3A_6] : memref<2x1000x128xf32, #tpu.memory_space<vmem>>, vector<1x1000x128xf32>
    %get3A_8 = vector.shape_cast %get3A_7 : vector<1x1000x128xf32> to vector<1000x128xf32>
    %add3A = arith.addf %get3A_3, %get3A_8 : vector<1000x128xf32>
    %get3A_9 = arith.constant 1 : index
    %get3A_10 = arith.constant 0 : index
    %get3A_11 = arith.constant 0 : index
    %get3A_12 = vector.load %arg2[%get3A_9, %get3A_10, %get3A_11] : memref<2x1000x128xf32, #tpu.memory_space<vmem>>, vector<1x1000x1xf32>
    %get3A_13 = vector.shape_cast %get3A_12 : vector<1x1000x1xf32> to vector<1000x1xf32>
    %max3A = arith.constant 1.000000e+00 : f32
    %max3A_14 = vector.broadcast %max3A : f32 to vector<1000x1xf32>
    %max3A_15 = arith.maximumf %get3A_13, %max3A_14 : vector<1000x1xf32>
    %rsqrt3A = math.rsqrt %max3A_15 : vector<1000x1xf32>
    %mul3A = vector.broadcast %rsqrt3A : vector<1000x1xf32> to vector<1000x128xf32>
    %mul3A_16 = arith.mulf %add3A, %mul3A : vector<1000x128xf32>
    %get3A_17 = arith.constant 0 : index
    %get3A_18 = arith.constant 0 : index
    %get3A_19 = vector.load %arg3[%get3A_17, %get3A_18] : memref<128x256xf32, #tpu.memory_space<vmem>>, vector<128x256xf32>
    %dot_general3A = arith.constant dense<0.000000e+00> : vector<1000x256xf32>
    %dot_general3A_20 = tpu.matmul %mul3A_16, %get3A_19, %dot_general3A {dimension_numbers = #tpu.dot_dimension_numbers<[1], [0], [0], [1], [0, 0, 1, 1], [], []>, transpose_lhs_hint = false} : vector<1000x128xf32>, vector<128x256xf32>, vector<1000x256xf32> -> vector<1000x256xf32>
    %get3A_21 = arith.constant 0 : index
    %get3A_22 = arith.constant 0 : index
    %get3A_23 = vector.load %arg4[%get3A_21, %get3A_22] : memref<1x256xf32, #tpu.memory_space<vmem>>, vector<1x256xf32>
    %add3A_24 = vector.broadcast %get3A_23 : vector<1x256xf32> to vector<1000x256xf32>
    %add3A_25 = arith.addf %dot_general3A_20, %add3A_24 : vector<1000x256xf32>
    %max3A_26 = arith.constant 0.000000e+00 : f32
    %max3A_27 = vector.broadcast %max3A_26 : f32 to vector<1000x256xf32>
    %max3A_28 = arith.maximumf %add3A_25, %max3A_27 : vector<1000x256xf32>
    %get3A_29 = arith.constant 0 : index
    %get3A_30 = arith.constant 0 : index
    %get3A_31 = arith.constant 0 : index
    %get3A_32 = vector.load %arg2[%get3A_29, %get3A_30, %get3A_31] : memref<2x1000x128xf32, #tpu.memory_space<vmem>>, vector<1x1000x1xf32>
    %get3A_33 = vector.shape_cast %get3A_32 : vector<1x1000x1xf32> to vector<1000x1xf32>
    %max3A_34 = arith.constant 1.000000e+00 : f32
    %max3A_35 = vector.broadcast %max3A_34 : f32 to vector<1000x1xf32>
    %max3A_36 = arith.maximumf %get3A_33, %max3A_35 : vector<1000x1xf32>
    %rsqrt3A_37 = math.rsqrt %max3A_36 : vector<1000x1xf32>
    %mul3A_38 = vector.broadcast %rsqrt3A_37 : vector<1000x1xf32> to vector<1000x256xf32>
    %mul3A_39 = arith.mulf %max3A_28, %mul3A_38 : vector<1000x256xf32>
    %get3A_40 = arith.constant 0 : index
    %get3A_41 = arith.constant 0 : index
    %get3A_42 = vector.load %arg5[%get3A_40, %get3A_41] : memref<256x128xf32, #tpu.memory_space<vmem>>, vector<256x128xf32>
    %dot_general3A_43 = arith.constant dense<0.000000e+00> : vector<1000x128xf32>
    %dot_general3A_44 = tpu.matmul %mul3A_39, %get3A_42, %dot_general3A_43 {dimension_numbers = #tpu.dot_dimension_numbers<[1], [0], [0], [1], [0, 0, 1, 1], [], []>, transpose_lhs_hint = false} : vector<1000x256xf32>, vector<256x128xf32>, vector<1000x128xf32> -> vector<1000x128xf32>
    %swap3A = arith.constant 0 : index
    %swap3A_45 = arith.constant 0 : index
    %swap3A_46 = vector.load %arg6[%swap3A, %swap3A_45] : memref<1000x128xf32, #tpu.memory_space<vmem>>, vector<1000x128xf32>
    tpu.vector_store %arg6[%swap3A, %swap3A_45], %dot_general3A_44 {strides = array<i32>} : memref<1000x128xf32, #tpu.memory_space<vmem>>, vector<1000x128xf32>,
    return
  }
  func.func @transform_0(%arg0: i32) -> (i32, i32, i32) {
    %c0_i32 = arith.constant 0 : i32
    %c0_i32_0 = arith.constant 0 : i32
    %c0_i32_1 = arith.constant 0 : i32
    return %c0_i32, %arg0, %c0_i32_0 : i32, i32, i32
  }
  func.func @transform_1(%arg0: i32) -> (i32, i32, i32) {
    %c0_i32 = arith.constant 0 : i32
    %c0_i32_0 = arith.constant 0 : i32
    %c0_i32_1 = arith.constant 0 : i32
    return %c0_i32, %arg0, %c0_i32_0 : i32, i32, i32
  }
  func.func @transform_2(%arg0: i32) -> (i32, i32) {
    %c0_i32 = arith.constant 0 : i32
    %c0_i32_0 = arith.constant 0 : i32
    %c0_i32_1 = arith.constant 0 : i32
    return %c0_i32, %c0_i32_0 : i32, i32
  }
  func.func @transform_3(%arg0: i32) -> (i32, i32) {
    %c0_i32 = arith.constant 0 : i32
    %c0_i32_0 = arith.constant 0 : i32
    %c0_i32_1 = arith.constant 0 : i32
    return %c0_i32, %c0_i32_0 : i32, i32
  }
  func.func @transform_4(%arg0: i32) -> (i32, i32) {
    %c0_i32 = arith.constant 0 : i32
    %c0_i32_0 = arith.constant 0 : i32
    %c0_i32_1 = arith.constant 0 : i32
    return %c0_i32, %c0_i32_0 : i32, i32
  }
  func.func @transform_5(%arg0: i32) -> (i32, i32) {
    %c0_i32 = arith.constant 0 : i32
    %c0_i32_0 = arith.constant 0 : i32
    return %arg0, %c0_i32 : i32, i32
  }
}

module attributes {stable_mosaic.version = 14 : i64} {
  func.func @_final_body(%arg0: i32, %arg1: memref<2x1000x128xf32, #tpu.memory_space<vmem>>, %arg2: memref<2x1000x128xf32, #tpu.memory_space<vmem>>, %arg3: memref<1x128xf32, #tpu.memory_space<vmem>>, %arg4: memref<1000x128xf32, #tpu.memory_space<vmem>>) attributes {dimension_semantics = [#tpu.dimension_semantics<arbitrary>], iteration_bounds = array<i64: 10>, scalar_prefetch = 0 : i64, scratch_operands = 0 : i64, tpu.core_type = #tpu.core_type<tc>, window_params = [{transform_indices = @transform_0, window_bounds = array<i64: 2, 1000, 128>}, {transform_indices = @transform_1, window_bounds = array<i64: 2, 1000, 128>}, {pipeline_mode = #tpu.pipeline_mode<synchronous>, transform_indices = @transform_2, window_bounds = array<i64: 1, 128>}, {transform_indices = @transform_3, window_bounds = array<i64: 1000, 128>}]} {
    %get3A = arith.constant 0 : index
    %get3A_0 = arith.constant 0 : index
    %get3A_1 = arith.constant 0 : index
    %get3A_2 = vector.load %arg1[%get3A, %get3A_0, %get3A_1] : memref<2x1000x128xf32, #tpu.memory_space<vmem>>, vector<1x1000x128xf32>
    %get3A_3 = vector.shape_cast %get3A_2 : vector<1x1000x128xf32> to vector<1000x128xf32>
    %get3A_4 = arith.constant 1 : index
    %get3A_5 = arith.constant 0 : index
    %get3A_6 = arith.constant 0 : index
    %get3A_7 = vector.load %arg1[%get3A_4, %get3A_5, %get3A_6] : memref<2x1000x128xf32, #tpu.memory_space<vmem>>, vector<1x1000x128xf32>
    %get3A_8 = vector.shape_cast %get3A_7 : vector<1x1000x128xf32> to vector<1000x128xf32>
    %add3A = arith.addf %get3A_3, %get3A_8 : vector<1000x128xf32>
    %get3A_9 = arith.constant 1 : index
    %get3A_10 = arith.constant 0 : index
    %get3A_11 = arith.constant 0 : index
    %get3A_12 = vector.load %arg2[%get3A_9, %get3A_10, %get3A_11] : memref<2x1000x128xf32, #tpu.memory_space<vmem>>, vector<1x1000x1xf32>
    %get3A_13 = vector.shape_cast %get3A_12 : vector<1x1000x1xf32> to vector<1000x1xf32>
    %max3A = arith.constant 1.000000e+00 : f32
    %max3A_14 = vector.broadcast %max3A : f32 to vector<1000x1xf32>
    %max3A_15 = arith.maximumf %get3A_13, %max3A_14 : vector<1000x1xf32>
    %rsqrt3A = math.rsqrt %max3A_15 : vector<1000x1xf32>
    %mul3A = vector.broadcast %rsqrt3A : vector<1000x1xf32> to vector<1000x128xf32>
    %mul3A_16 = arith.mulf %add3A, %mul3A : vector<1000x128xf32>
    %get3A_17 = arith.constant 0 : index
    %get3A_18 = arith.constant 0 : index
    %get3A_19 = vector.load %arg3[%get3A_17, %get3A_18] : memref<1x128xf32, #tpu.memory_space<vmem>>, vector<1x128xf32>
    %add3A_20 = vector.broadcast %get3A_19 : vector<1x128xf32> to vector<1000x128xf32>
    %add3A_21 = arith.addf %mul3A_16, %add3A_20 : vector<1000x128xf32>
    %max3A_22 = arith.constant 0.000000e+00 : f32
    %max3A_23 = vector.broadcast %max3A_22 : f32 to vector<1000x128xf32>
    %max3A_24 = arith.maximumf %add3A_21, %max3A_23 : vector<1000x128xf32>
    %swap3A = arith.constant 0 : index
    %swap3A_25 = arith.constant 0 : index
    %swap3A_26 = vector.load %arg4[%swap3A, %swap3A_25] : memref<1000x128xf32, #tpu.memory_space<vmem>>, vector<1000x128xf32>
    tpu.vector_store %arg4[%swap3A, %swap3A_25], %max3A_24 {strides = array<i32>} : memref<1000x128xf32, #tpu.memory_space<vmem>>, vector<1000x128xf32>,
    return
  }
  func.func @transform_0(%arg0: i32) -> (i32, i32, i32) {
    %c0_i32 = arith.constant 0 : i32
    %c0_i32_0 = arith.constant 0 : i32
    %c0_i32_1 = arith.constant 0 : i32
    return %c0_i32, %arg0, %c0_i32_0 : i32, i32, i32
  }
  func.func @transform_1(%arg0: i32) -> (i32, i32, i32) {
    %c0_i32 = arith.constant 0 : i32
    %c0_i32_0 = arith.constant 0 : i32
    %c0_i32_1 = arith.constant 0 : i32
    return %c0_i32, %arg0, %c0_i32_0 : i32, i32, i32
  }
  func.func @transform_2(%arg0: i32) -> (i32, i32) {
    %c0_i32 = arith.constant 0 : i32
    %c0_i32_0 = arith.constant 0 : i32
    %c0_i32_1 = arith.constant 0 : i32
    return %c0_i32, %c0_i32_0 : i32, i32
  }
  func.func @transform_3(%arg0: i32) -> (i32, i32) {
    %c0_i32 = arith.constant 0 : i32
    %c0_i32_0 = arith.constant 0 : i32
    return %arg0, %c0_i32 : i32, i32
  }
}

</mosaic_0001>

<sc_bundles>
// kernel: kernel.11.cloned.1.call-start
scs
__scs_entry_jumppad:
0x0: {  	(pc) =	sbr.rel $0x88, $3  }
0x1: {  	(tag) =	ssettag $0x0;
	lr =	simm.s32 $0x1  }
0x2: {  	[smem:$0x3F9B] =	sst lr;
	_ =	strace $0xD0000000  }
0x3: {  	_ = 	snop  }
0x4: {  	_ = 	snop  }
0x5: {  	_ = 	snop  }
0x6: {  	_ = 	snop  }
0x7: {  	_ = 	snop  }
__scs_overlays_trampoline_lowered:
0x8: {  	[smem:$0x3FAA] =	sst s0  }
0x9: {  	[smem:$0x3FAB] =	sst s1  }
0xa: {  	[smem:$0x3FAC] =	sst s2  }
0xb: {  	[smem:$0x3FAD] =	sst s3  }
0xc: {  	[smem:$0x3FAE] =	sst s4  }
0xd: {  	[smem:$0x3FAF] =	sst s5  }
0xe: {  	[smem:$0x3FB0] =	sst s6  }
0xf: {  	[smem:$0x3FB1] =	sst s7  }
0x10: {  	[smem:$0x3FB2] =	sst s8  }
0x11: {  	[smem:$0x3FB3] =	sst s9;
	s0 =	simm.s32 @!p0 $0x0  }
0x12: {  	s1 =	sld [smem:$0x3F99];
	s0 =	simm.s32 @p0 $0x1  }
0x13: {  	[smem:$0x3FB4] =	sst s0;
	s0 =	simm.s32 @!p1 $0x0  }
0x14: {  	s2 =	sld [smem:$0x3F98];
	s0 =	simm.s32 @p1 $0x1  }
0x15: {  	[smem:$0x3FB5] =	sst s0;
	s0 =	simm.s32 @!p2 $0x0  }
0x16: {  	s3 =	sld [smem:$0x3FDB];
	s0 =	simm.s32 @p2 $0x1  }
0x17: {  	s4 =	simm.s32 $0x1BF5;
	[smem:$0x3FB7] =	sst s0  }
0x18: {  	s0 =	sld [smem:$0x3F9A];
	_ =	swait.ge [sflag:s4], $0x0  }
0x19: {  	s7 =	sld [smem:$0x3F9B]  }
0x1a: {  	s8 =	sadd.s32 $0xFFFFE003, lr  }
0x1b: {  	s9 =	sadd.s32 $0xFFFFFEF7, lr;
	s5 =	simm.s32 $0xFFFFFFFF;
	p2 =	slt.u32 s8, $0xFFFFF086  }
0x1c: {  	p1 =	slt.u32 s9, $0xF7A;
	s5 =	simm.s32 @!p2 $0x0  }
0x1d: {  	s5 =	simm.s32 @p1 $0x1;
	p0 =	seq.s32 s7, s2  }
0x1e: {  	s7 =	smul.u32 @!p0 $0xF7A, s2;
	p2 =	seq.s32 @!p0 s5, $0x0  }
0x1f: {  	s9 =	smul.u32 $0xF7A, s1;
	s8 =	simm.s32 @!p0 $0x1BF5;
	p2 =	por !p2, p0  }
0x20: {  	[sflag:s8] =	ssyncset.s32 @!p0 $0xFFFFF086;
	s6 =	sadd.s32 @!p0 s3, s7;
	s7 =	simm.s32 @!p0 $0x108  }
0x21: {  	s3 =	sadd.s32 s3, s9;
	s6 =	sadd.s32 @!p0 $0x88, s6;
	s7 =	simm.s32 @p2 $0x1082  }
0x22: {  	[simem:s7], [sflag:s8] =	dma.local @!p0 [hbm:s6], $0xF7A  }
0x23: {  	s9 =	sor.u32 $0xD0000000, s2;
	s6 =	simm.s32 $0x108;
	_ =	swait.ge @!p0 [sflag:s8], $0x0  }
0x24: {  	s3 =	sadd.s32 $0x88, s3;
	s6 =	simm.s32 @!p1 $0x1082;
	[sflag:s4] =	ssyncset.s32 $0xFFFFF086  }
0x25: {  	[simem:s6], [sflag:s4] =	dma.local [hbm:s3], $0xF7A  }
0x26: {  	[smem:$0x3F9B] =	sst s1;
	(tag) =	ssettag s2;
	_ =	strace s9  }
0x27: {  	s1 =	sld [smem:$0x3FAB]  }
0x28: {  	s2 =	sld [smem:$0x3FAC]  }
0x29: {  	s4 =	sld [smem:$0x3FAE]  }
0x2a: {  	p0 =	seq.s32 s5, $0x0;
	s5 =	sld [smem:$0x3FAF]  }
0x2b: {  	s6 =	sld [smem:$0x3FB0]  }
0x2c: {  	s7 =	sld [smem:$0x3FB1]  }
0x2d: {  	s3 =	simm.s32 $0x108;
	s8 =	sld [smem:$0x3FB2]  }
0x2e: {  	s3 =	simm.s32 @!p0 $0x1082;
	s9 =	sld [smem:$0x3FB3]  }
0x2f: {  	lr =	sadd.s32 s0, s3;
	s0 =	sld [smem:$0x3FAA]  }
0x30: {  	s3 =	sld [smem:$0x3FAD]  }
0x31: {  	[smem:$0x3FB6] =	sst s10  }
0x32: {  	s10 =	sld [smem:$0x3FB4];
	_ =	sdelay $0x3  }
0x33: {  	p0 =	seq.s32 s10, $0x1;
	s10 =	sld [smem:$0x3FB6];
	_ =	sdelay $0x3  }
0x34: {  	[smem:$0x3FB6] =	sst s10  }
0x35: {  	s10 =	sld [smem:$0x3FB5];
	_ =	sdelay $0x3  }
0x36: {  	p1 =	seq.s32 s10, $0x1;
	s10 =	sld [smem:$0x3FB6];
	_ =	sdelay $0x3  }
0x37: {  	[smem:$0x3FB6] =	sst s10  }
0x38: {  	s10 =	sld [smem:$0x3FB7]  }
0x39: {  	_ = 	snop;
	(pc) =	sbr.ind lr, $3  }
0x3a: {  	_ = 	snop  }
0x3b: {  	_ = 	snop  }
0x3c: {  	p2 =	seq.s32 s10, $0x1;
	s10 =	sld [smem:$0x3FB6]  }
0x3d: {  	_ =	shalt  }
0x3e: {  	_ =	shalt  }
0x3f: {  	_ =	shalt  }
0x40: {  	_ =	shalt  }
0x41: {  	_ =	shalt  }
0x42: {  	_ =	shalt  }
0x43: {  	_ =	shalt  }
0x44: {  	_ =	shalt  }
0x45: {  	_ =	shalt  }
0x46: {  	_ =	shalt  }
0x47: {  	_ =	shalt  }
0x48: {  	_ =	shalt  }
0x49: {  	_ =	shalt  }
0x4a: {  	_ =	shalt  }
0x4b: {  	_ =	shalt  }
0x4c: {  	_ =	shalt  }
0x4d: {  	_ =	shalt  }
0x4e: {  	_ =	shalt  }
0x4f: {  	_ =	shalt  }
0x50: {  	_ =	shalt  }
0x51: {  	_ =	shalt  }
0x52: {  	_ =	shalt  }
0x53: {  	_ =	shalt  }
0x54: {  	_ =	shalt  }
0x55: {  	_ =	shalt  }
0x56: {  	_ =	shalt  }
0x57: {  	_ =	shalt  }
0x58: {  	_ =	shalt  }
0x59: {  	_ =	shalt  }
0x5a: {  	_ =	shalt  }
0x5b: {  	_ =	shalt  }
0x5c: {  	_ =	shalt  }
0x5d: {  	_ =	shalt  }
0x5e: {  	_ =	shalt  }
0x5f: {  	_ =	shalt  }
0x60: {  	_ =	shalt  }
0x61: {  	_ =	shalt  }
0x62: {  	_ =	shalt  }
0x63: {  	_ =	shalt  }
0x64: {  	_ =	shalt  }
0x65: {  	_ =	shalt  }
0x66: {  	_ =	shalt  }
0x67: {  	_ =	shalt  }
0x68: {  	_ =	shalt  }
0x69: {  	_ =	shalt  }
0x6a: {  	_ =	shalt  }
0x6b: {  	_ =	shalt  }
0x6c: {  	_ =	shalt  }
0x6d: {  	_ =	shalt  }
0x6e: {  	_ =	shalt  }
0x6f: {  	_ =	shalt  }
0x70: {  	_ =	shalt  }
0x71: {  	_ =	shalt  }
0x72: {  	_ =	shalt  }
0x73: {  	_ =	shalt  }
0x74: {  	_ =	shalt  }
0x75: {  	_ =	shalt  }
0x76: {  	_ =	shalt  }
0x77: {  	_ =	shalt  }
0x78: {  	_ =	shalt  }
0x79: {  	_ =	shalt  }
0x7a: {  	_ =	shalt  }
0x7b: {  	_ =	shalt  }
0x7c: {  	_ =	shalt  }
0x7d: {  	_ =	shalt  }
0x7e: {  	_ =	shalt  }
0x7f: {  	_ =	shalt  }
0x80: {  	_ =	shalt  }
0x81: {  	_ =	shalt  }
0x82: {  	_ =	shalt  }
0x83: {  	_ =	shalt  }
0x84: {  	_ =	shalt  }
0x85: {  	_ =	shalt  }
0x86: {  	_ =	shalt  }
0x87: {  	_ =	shalt  }
.Lfunc_end0:
.L_simem_size_0:
called_computation.1_lowered:
.L_overlay_start_0:
0x88: {  	s2 =	sld [smem:$0x3FD9]  }
0x89: {  	s3 =	sld [smem:$0x3FFE];
	_ =	sdelay $0x1  }
0x8a: {  	s1 =	srdreg.scid  }
0x8b: {  	s0 =	sand.u32 $0x1, s1  }
0x8c: {  	s17 =	sshll.u32 s0, $0xA;
	s2 =	sadd.s32 s3, s2  }
0x8d: {  	s2 =	sadd.s32 s2, s17  }
0x8e: {  	[smem:$0x3FC2] =	sst s2  }
0x8f: {  	_ = 	snop  }
0x90: {  	s2 =	sld [smem:$0x3FD0];
	(tm) =	ssettm $0x1  }
0x91: {  	s18 =	sld [smem:$0x3FFB];
	_ =	sdelay $0x3  }
0x92: {  	_ =	strace s18  }
0x93: {  	s3 =	sld [smem:$0x3FFC];
	_ =	sdelay $0x3  }
0x94: {  	_ =	strace s3  }
0x95: {  	s3 =	sld [smem:$0x3FFD];
	_ =	sdelay $0x3  }
0x96: {  	_ =	strace s3  }
0x97: {  	_ =	strace $0x8FFFFFFF  }
0x98: {  	s19 =	sld [smem:$0x3FDB];
	_ =	sdelay $0x1  }
0x99: {  	s4 =	simm.s32 $_scs_section_size  }
0x9a: {  	s5 =	simm.s32 $_size__tile_overlayer_lowered;
	s6 =	simm.s32 $_tile_overlayer_lowered  }
0x9b: {  	s22 =	simm.s32 $0x1BFF;
	s21 =	sshll.u32 s6, $0x1;
	s3 =	sadd.s32 s4, s19  }
0x9c: {  	s7 =	simm.s32 $0x0;
	s20 =	sshll.u32 s5, $0x1;
	s5 =	sadd.s32 s21, s3  }
0x9d: {  	[timem:s7], [sflag:s22] =	dma.local [hbm:s5], s20  }
0x9e: {  	_ =	swait.ge [sflag:s22], s20  }
0x9f: {  	s4 =	ssub.s32 $0x0, s20;
	[sflag:s22] =	ssyncset.done $0x0  }
0xa0: {  	[sflag:s22] =	ssyncadd.s32 s4;
	_ =	sdelay $0x1  }
0xa1: {  	s23 =	simm.s32 $0x1B8B  }
0xa2: {  	_ =	swait.ge [sflag:s23], $0x1  }
0xa3: {  	[sflag:s23] =	ssyncset.done $0x0  }
0xa4: {  	s25 =	simm.s32 $0x1B8E;
	s24 =	sld [smem:$0x3FFE];
	[sflag:s23] =	ssyncadd.s32 $0xFFFFFFFF  }
0xa5: {  	s26 =	simm.s32 $execute0_lowered;
	[smem:$0x3FD2] =	sst s25  }
0xa6: {  	s5 =	sshll.u32 s26, $0x1;
	_ =	strace $0x80000049;
	[dreg:$0x1] =	wrdreg $0xFFFFFFFF  }
0xa7: {  	s28 =	simm.s32 $_size_execute0_lowered;
	s3 =	sadd.s32 s3, s5;
	[dreg:$0x0] =	wrdreg $0x0  }
0xa8: {  	s5 =	sshll.u32 s28, $0x1;
	[dreg:$0x2] =	wrdreg s3  }
0xa9: {  	[dreg:$0x3] =	wrdreg s5  }
0xaa: {  	[dreg:$0x4] =	wrdreg $0xC0  }
0xab: {  	_ =	task [dreg:s7], $0x5FFFF  }
0xac: {  	[dreg:$0x1] =	wrdreg $0xFFFFFFFF  }
0xad: {  	[dreg:$0x0] =	wrdreg $0x60  }
0xae: {  	[dreg:$0x2] =	wrdreg s2  }
0xaf: {  	[dreg:$0x3] =	wrdreg s24  }
0xb0: {  	[dreg:$0x4] =	wrdreg $0xB0000  }
0xb1: {  	[dreg:$0x5] =	wrdreg $0x9  }
0xb2: {  	_ =	task.clear_ibuf [dreg:s7], $0x6FFFF;
	_ =	strace $0x90000049  }
0xb3: {  	s29 =	simm.s32 $0x9;
	_ =	strace $0x8000004B  }
0xb4: {  	_ =	swait.ge [sflag:s29], $0x1  }
0xb5: {  	[sflag:s29] =	ssyncadd.s32 $0xFFFFFFFF  }
0xb6: {  	_ =	strace $0x9000004B  }
0xb7: {  	_ =	sfence  }
0xb8: {  	s30 =	sld [smem:$0x0];
	_ =	sdelay $0x2  }
0xb9: {  	s31 =	sshll.u32 s1, $0xD;
	s1 =	sshrl.u32 s1, $0x2  }
0xba: {  	s3 =	sand.u32 $0x4000, s31;
	s1 =	sadd.s32 s1, s30  }
0xbb: {  	s0 =	sor.u32 s3, s0;
	s1 =	sshll.u32 s1, $0x11  }
0xbc: {  	s0 =	sor.u32 s1, s0  }
0xbd: {  	s0 =	sadd.s32 $0x8F2B, s0  }
0xbe: {  	[sflag:s0] =	ssyncadd.remote.s32 $0x1  }
0xbf: {  	_ =	sfence.sel $0xFFFF  }
0xc0: {  	[dreg:$0x0] =	wrdreg $0xFFFFFFFF;
	(pc) =	sbr.abs _section_cstart, $3  }
0xc1: {  	[dreg:$0x1] =	wrdreg $0xFFFFFFFF  }
0xc2: {  	_ =	task.clear_ibuf [dreg:s7], $0x2FFFF;
	_ =	strace $0x9FFFFFFF  }
0xc3: {  	(tm) =	ssettm $0x7FFFFFFF  }
tec
execute0_lowered:
.L_overlay_start_1:
0x0: {  	(tag) =	ssettag $0x1  }
0x1: {  	s2 =	rddreg [dreg:$0x0]  }
0x2: {  	s6 =	rddreg [dreg:$0x1]  }
0x3: {  	s0 =	srdreg.scid;
	s3 =	rddreg [dreg:$0x2];
	s4 =	simm.s32 $0x0  }
0x4: {  	s19 =	simm.s32 $0x9000;
	s20 =	simm.s32 $0x2;
	s21 =	simm.s32 $0x2800  }
0x5: {  	s22 =	simm.s32 $0x80;
	s23 =	simm.s32 $0x5000;
	s5 =	sand.u32 $0x1, s0  }
0x6: {  	s24 =	simm.s32 $0x1;
	s0 =	stileid.u32;
	s8 =	smul.u32 $0x140000, s5  }
0x7: {  	[smem:$0x7FF] =	sst s4;
	s1 =	sshll.u32 s5, $0x4;
	s9 =	smul.u32 $0x14000, s0  }
0x8: {  	s10 =	smul.u32 $0x50000, s0;
	s29 =	ssub.s32 $0x2, s5;
	s1 =	sor.u32 s0, s1  }
0x9: {  	s31 =	sshrl.u32 s29, $0x1;
	s7 =	smul.u32 $0x500, s1;
	s1 =	rddreg [dreg:$0x3]  }
0xa: {  	_ =	strace $0x8000004A;
	s30 =	sshrl.u32 s10, $0x2;
	s18 =	ssub.s32 s29, s31  }
0xb: {  	s28 =	sadd.s32 s9, s8;
	s5 =	sadd.s32 s30, s3;
	s18 =	smax.u32 s18, $0x1  }
0xc: {  	s16 =	sadd.s32 s7, s6;
	s7 =	sshrl.u32 s28, $0x3;
	s8 =	sadd.s32 $0x6000, s5  }
0xd: {  	s9 =	sadd.s32 $0x8000, s5;
	s10 =	sadd.s32 $0xA000, s5;
	s11 =	sadd.s32 $0xC000, s5  }
0xe: {  	s12 =	sadd.s32 $0xE000, s5;
	s13 =	sadd.s32 $0x10000, s5;
	s14 =	sadd.s32 $0x12000, s5  }
0xf: {  	s17 =	sadd.s32 s7, s6;
	s6 =	sadd.s32 $0x2000, s5;
	s7 =	sadd.s32 $0x4000, s5  }
0x10: {  	v0 =	vimm.f32 $0.0e+00;
	s15 =	sadd.s32 $0x52A00, s16;
	s16 =	sadd.s32 $0x5CA00, s16;
	s17 =	sadd.s32 $0x66A00, s17  }
.LBB2_1:
0x11: {  	s25 =	simm.s32 $0x0;
	s26 =	simm.s32 $0x200  }
.LBB2_2:
0x12: {  	p0 =	sne.s32 s26, $0x7E00;
	[tilespmem:s25+$0x9070] =	vst v0  }
0x13: {  	[tilespmem:s25+$0x9000] =	vst v0  }
0x14: {  	[tilespmem:s25+$0x9010] =	vst v0  }
.Ltmp0:
0x15: {  	[tilespmem:s25+$0x9020] =	vst v0;
	(pc) =	sbr.rel @p0 .LBB2_2-.Ltmp0, $4  }
0x16: {  	[tilespmem:s25+$0x9030] =	vst v0  }
0x17: {  	[tilespmem:s25+$0x9040] =	vst v0  }
0x18: {  	[tilespmem:s25+$0x9050] =	vst v0  }
0x19: {  	[tilespmem:s25+$0x9060] =	vst v0;
	s25 =	sshra.s32 s26, $0x2;
	s26 =	sadd.s32 $0x200, s26  }
0x1a: {  	[tilespmem:s25+$0x9070] =	vst v0  }
0x1b: {  	[tilespmem:s25+$0x9000] =	vst v0  }
0x1c: {  	[tilespmem:s25+$0x9010] =	vst v0  }
0x1d: {  	[tilespmem:s25+$0x9020] =	vst v0  }
0x1e: {  	[tilespmem:s25+$0x9030] =	vst v0  }
0x1f: {  	[tilespmem:s25+$0x9040] =	vst v0  }
0x20: {  	[tilespmem:s25+$0x9050] =	vst v0  }
0x21: {  	[tilespmem:s25+$0x9060] =	vst v0  }
0x22: {  	[spmem:s5] =	stream.linear.scatter [tilespmem:s19], [sflag:$0x2], $0x2000, $0x38;
	[tilespmem:$0x1F000] =	vst v63  }
0x23: {  	_ =	swait.ge [sflag:s20], $0x2000  }
0x24: {  	[sflag:s20] =	ssyncset.done $0x0  }
0x25: {  	[sflag:s20] =	ssyncadd.s32 $0xFFFFE000  }
0x26: {  	[spmem:s6] =	stream.linear.scatter [tilespmem:s19], [sflag:$0x2], $0x2000, $0x38;
	[tilespmem:$0x1F000] =	vst v63  }
0x27: {  	_ =	swait.ge [sflag:s20], $0x2000  }
0x28: {  	[sflag:s20] =	ssyncset.done $0x0  }
0x29: {  	[sflag:s20] =	ssyncadd.s32 $0xFFFFE000  }
0x2a: {  	[spmem:s7] =	stream.linear.scatter [tilespmem:s19], [sflag:$0x2], $0x2000, $0x38;
	[tilespmem:$0x1F000] =	vst v63  }
0x2b: {  	_ =	swait.ge [sflag:s20], $0x2000  }
0x2c: {  	[sflag:s20] =	ssyncset.done $0x0  }
0x2d: {  	[sflag:s20] =	ssyncadd.s32 $0xFFFFE000  }
0x2e: {  	[spmem:s8] =	stream.linear.scatter [tilespmem:s19], [sflag:$0x2], $0x2000, $0x38;
	[tilespmem:$0x1F000] =	vst v63  }
0x2f: {  	_ =	swait.ge [sflag:s20], $0x2000  }
0x30: {  	[sflag:s20] =	ssyncset.done $0x0  }
0x31: {  	[sflag:s20] =	ssyncadd.s32 $0xFFFFE000  }
0x32: {  	[spmem:s9] =	stream.linear.scatter [tilespmem:s19], [sflag:$0x2], $0x2000, $0x38;
	[tilespmem:$0x1F000] =	vst v63  }
0x33: {  	_ =	swait.ge [sflag:s20], $0x2000  }
0x34: {  	[sflag:s20] =	ssyncset.done $0x0  }
0x35: {  	[sflag:s20] =	ssyncadd.s32 $0xFFFFE000  }
0x36: {  	[spmem:s10] =	stream.linear.scatter [tilespmem:s19], [sflag:$0x2], $0x2000, $0x38;
	[tilespmem:$0x1F000] =	vst v63  }
0x37: {  	_ =	swait.ge [sflag:s20], $0x2000  }
0x38: {  	[sflag:s20] =	ssyncset.done $0x0  }
0x39: {  	[sflag:s20] =	ssyncadd.s32 $0xFFFFE000  }
0x3a: {  	[spmem:s11] =	stream.linear.scatter [tilespmem:s19], [sflag:$0x2], $0x2000, $0x38;
	[tilespmem:$0x1F000] =	vst v63  }
0x3b: {  	_ =	swait.ge [sflag:s20], $0x2000  }
0x3c: {  	[sflag:s20] =	ssyncset.done $0x0  }
0x3d: {  	[sflag:s20] =	ssyncadd.s32 $0xFFFFE000  }
0x3e: {  	[spmem:s12] =	stream.linear.scatter [tilespmem:s19], [sflag:$0x2], $0x2000, $0x38;
	[tilespmem:$0x1F000] =	vst v63  }
0x3f: {  	_ =	swait.ge [sflag:s20], $0x2000  }
0x40: {  	[sflag:s20] =	ssyncset.done $0x0  }
0x41: {  	[sflag:s20] =	ssyncadd.s32 $0xFFFFE000  }
0x42: {  	[spmem:s13] =	stream.linear.scatter [tilespmem:s19], [sflag:$0x2], $0x2000, $0x38;
	[tilespmem:$0x1F000] =	vst v63  }
0x43: {  	_ =	swait.ge [sflag:s20], $0x2000  }
0x44: {  	[sflag:s20] =	ssyncset.done $0x0  }
0x45: {  	[sflag:s20] =	ssyncadd.s32 $0xFFFFE000  }
0x46: {  	[spmem:s14] =	stream.linear.scatter [tilespmem:s19], [sflag:$0x2], $0x2000, $0x38;
	[tilespmem:$0x1F000] =	vst v63  }
0x47: {  	_ =	swait.ge [sflag:s20], $0x2000  }
0x48: {  	[sflag:s20] =	ssyncset.done $0x0  }
0x49: {  	s29 =	simm.s32 $0x0;
	[sflag:s20] =	ssyncadd.s32 $0xFFFFE000  }
0x4a: {  	[tilespmem:s29], [sflag:$0x2] =	stream.linear.gather [hbm4b:s15+s29], $0x2780, $0x38;
	[tilespmem:$0x1F000] =	vst v63  }
0x4b: {  	_ =	swait.ge [sflag:s20], $0x2780  }
0x4c: {  	[sflag:s20] =	ssyncset.done $0x0  }
0x4d: {  	[sflag:s20] =	ssyncadd.s32 $0xFFFFD880  }
0x4e: {  	[tilespmem:s21], [sflag:$0x2] =	stream.linear.gather [hbm4b:s16+s29], $0x2780, $0x38;
	[tilespmem:$0x1F000] =	vst v63  }
0x4f: {  	_ =	swait.ge [sflag:s20], $0x2780  }
0x50: {  	[sflag:s20] =	ssyncset.done $0x0  }
0x51: {  	[sflag:s20] =	ssyncadd.s32 $0xFFFFD880  }
0x52: {  	s30 =	simm.s32 $0x0;
	[bflag:$0x0] =	sbarrier.arrive $0xFFFF  }
0x53: {  	[tilespmem:s23], [sflag:$0x1] =	stream.indirect.gather [hbm4b:s2+s22], $0x80, s30, s22, $0xb8;
	[tilespmem:$0x1F000] =	vst v63  }
0x54: {  	_ =	swait.ge [sflag:s24], $0x4000  }
0x55: {  	[sflag:s24] =	ssyncset.done $0x0  }
0x56: {  	s31 =	simm.s32 $0x2800;
	[sflag:s24] =	ssyncadd.s32 $0xFFFFC000  }
0x57: {  	[spmem:s3] =	stream.indirect.scatter.add.f32 [tilespmem:s23], [sflag:$0x2], $0x80, s31, s22, $0xb8;
	[tilespmem:$0x1F000] =	vst v63  }
0x58: {  	_ =	swait.ge [sflag:s20], $0x4000  }
0x59: {  	s25 =	simm.s32 $0x200;
	s26 =	simm.s32 $0x400;
	[sflag:s20] =	ssyncset.done $0x0  }
.LBB2_4:
0x5a: {  	s28 =	sshra.s32 s25, $0x2  }
0x5b: {  	[sflag:s20] =	ssyncadd.s32 $0xFFFFC000;
	s25 =	smov.u32 s26;
	s29 =	sadd.s32 $0x200, s26  }
0x5c: {  	[tilespmem:s23], [sflag:$0x1] =	stream.indirect.gather [hbm4b:s2+s22], $0x80, s28, s22, $0xb8;
	[tilespmem:$0x1F000] =	vst v63  }
0x5d: {  	p0 =	sne.s32 s26, $0x9C00;
	_ =	swait.ge [sflag:s24], $0x4000  }
.Ltmp1:
0x5e: {  	[sflag:s24] =	ssyncset.done $0x0;
	(pc) =	sbr.rel @p0 .LBB2_4-.Ltmp1, $4  }
0x5f: {  	s26 =	sadd.s32 $0x2800, s28;
	[sflag:s24] =	ssyncadd.s32 $0xFFFFC000  }
0x60: {  	[spmem:s3] =	stream.indirect.scatter.add.f32 [tilespmem:s23], [sflag:$0x2], $0x80, s26, s22, $0xb8;
	[tilespmem:$0x1F000] =	vst v63  }
0x61: {  	_ =	swait.ge [sflag:s20], $0x4000  }
0x62: {  	s26 =	smov.u32 s29;
	[sflag:s20] =	ssyncset.done $0x0  }
0x63: {  	s25 =	sshra.s32 s25, $0x2;
	[sflag:s20] =	ssyncadd.s32 $0xFFFFC000  }
0x64: {  	[tilespmem:s23], [sflag:$0x1] =	stream.indirect.gather [hbm4b:s2+s22], $0x80, s25, s22, $0xb8;
	[tilespmem:$0x1F000] =	vst v63  }
0x65: {  	_ =	swait.ge [sflag:s24], $0x4000  }
0x66: {  	[sflag:s24] =	ssyncset.done $0x0  }
0x67: {  	s25 =	sadd.s32 $0x2800, s25;
	[sflag:s24] =	ssyncadd.s32 $0xFFFFC000  }
0x68: {  	[spmem:s3] =	stream.indirect.scatter.add.f32 [tilespmem:s23], [sflag:$0x2], $0x80, s25, s22, $0xb8;
	[tilespmem:$0x1F000] =	vst v63  }
0x69: {  	_ =	swait.ge [sflag:s20], $0x4000  }
0x6a: {  	s31 =	sshll.u32 s0, $0x6;
	s4 =	sadd.s32 $0x1, s4;
	[sflag:s20] =	ssyncset.done $0x0  }
0x6b: {  	s26 =	sshrl.u32 s5, $0x3;
	p0 =	sne.s32 s4, s18;
	[sflag:s20] =	ssyncadd.s32 $0xFFFFC000  }
.Ltmp2:
0x6c: {  	s25 =	sor.u32 $0x1C02, s31;
	[bflag:$0x0] =	sbarrier.arrive $0xFFFF;
	(pc) =	sbr.rel @p0 .LBB2_1-.Ltmp2, $4  }
0x6d: {  	[hbm:s17], [sflag:s25] =	dma.local [spmem:s26], $0x2800  }
0x6e: {  	_ =	swait.ge [sflag:s20], $0x2800  }
0x6f: {  	[sflag:s20] =	ssyncset.done $0x0  }
0x70: {  	[sflag:s20] =	ssyncadd.s32 $0xFFFFD800  }
0x71: {  	_ =	sfence.sel $0x180000  }
0x72: {  	[bflag:$0x0] =	sbarrier.arrive $0xFFFF  }
0x73: {  	p0 =	sne.s32 s0, $0x0;
	_ =	strace $0x9000004A  }
0x74: {  	s0 =	sadd.s32 @!p0 $0x100000, s1;
	[bflag:$0x2] =	sbarrier.arrive $0xFFFF  }
0x75: {  	[sflag:s0] =	ssyncadd.tile.s32 @!p0 $0x1;
	_ =	shalt  }
.Lfunc_end2:
_tile_overlayer_lowered:
.L_overlay_start_2:
0x76: {  	(tag) =	ssettag $0x2  }
0x77: {  	s0 =	rddreg [dreg:$0x0];
	s2 =	stileid.u32  }
0x78: {  	s1 =	rddreg [dreg:$0x1];
	p0 =	sne.s32 s2, $0x0  }
0x79: {  	s3 =	rddreg [dreg:$0x2];
	[bflag:$0x3] =	sbarrier.arrive $0xFFFF;
	s2 =	simm.s32 @!p0 $0x1C02  }
0x7a: {  	[timem:s3], [sflag:s2] =	dma.local @!p0 [hbm:s0], s1  }
0x7b: {  	s0 =	simm.s32 @!p0 $0x2  }
0x7c: {  	_ =	swait.ge @!p0 [sflag:s0], s1  }
0x7d: {  	s1 =	ssub.s32 @!p0 $0x0, s1;
	[sflag:s0] =	ssyncset.done @!p0 $0x0  }
0x7e: {  	[sflag:s0] =	ssyncadd.s32 @!p0 s1  }
0x7f: {  	[bflag:$0x3] =	sbarrier.arrive $0xFFFF  }
0x80: {  	_ =	shalt  }

// kernel: kernel.14.cloned.1.call-start
scs
__scs_entry_jumppad:
0x0: {  	(pc) =	sbr.rel $0x88, $3  }
0x1: {  	(tag) =	ssettag $0x0;
	lr =	simm.s32 $0x1  }
0x2: {  	[smem:$0x3F9B] =	sst lr;
	_ =	strace $0xD0000000  }
0x3: {  	_ = 	snop  }
0x4: {  	_ = 	snop  }
0x5: {  	_ = 	snop  }
0x6: {  	_ = 	snop  }
0x7: {  	_ = 	snop  }
__scs_overlays_trampoline_lowered:
0x8: {  	[smem:$0x3FAA] =	sst s0  }
0x9: {  	[smem:$0x3FAB] =	sst s1  }
0xa: {  	[smem:$0x3FAC] =	sst s2  }
0xb: {  	[smem:$0x3FAD] =	sst s3  }
0xc: {  	[smem:$0x3FAE] =	sst s4  }
0xd: {  	[smem:$0x3FAF] =	sst s5  }
0xe: {  	[smem:$0x3FB0] =	sst s6  }
0xf: {  	[smem:$0x3FB1] =	sst s7  }
0x10: {  	[smem:$0x3FB2] =	sst s8  }
0x11: {  	[smem:$0x3FB3] =	sst s9;
	s0 =	simm.s32 @!p0 $0x0  }
0x12: {  	s1 =	sld [smem:$0x3F99];
	s0 =	simm.s32 @p0 $0x1  }
0x13: {  	[smem:$0x3FB4] =	sst s0;
	s0 =	simm.s32 @!p1 $0x0  }
0x14: {  	s2 =	sld [smem:$0x3F98];
	s0 =	simm.s32 @p1 $0x1  }
0x15: {  	[smem:$0x3FB5] =	sst s0;
	s0 =	simm.s32 @!p2 $0x0  }
0x16: {  	s3 =	sld [smem:$0x3FDB];
	s0 =	simm.s32 @p2 $0x1  }
0x17: {  	s4 =	simm.s32 $0x1BF5;
	[smem:$0x3FB7] =	sst s0  }
0x18: {  	s0 =	sld [smem:$0x3F9A];
	_ =	swait.ge [sflag:s4], $0x0  }
0x19: {  	s7 =	sld [smem:$0x3F9B]  }
0x1a: {  	s8 =	sadd.s32 $0xFFFFE003, lr  }
0x1b: {  	s9 =	sadd.s32 $0xFFFFFEF7, lr;
	s5 =	simm.s32 $0xFFFFFFFF;
	p2 =	slt.u32 s8, $0xFFFFF086  }
0x1c: {  	p1 =	slt.u32 s9, $0xF7A;
	s5 =	simm.s32 @!p2 $0x0  }
0x1d: {  	s5 =	simm.s32 @p1 $0x1;
	p0 =	seq.s32 s7, s2  }
0x1e: {  	s7 =	smul.u32 @!p0 $0xF7A, s2;
	p2 =	seq.s32 @!p0 s5, $0x0  }
0x1f: {  	s9 =	smul.u32 $0xF7A, s1;
	s8 =	simm.s32 @!p0 $0x1BF5;
	p2 =	por !p2, p0  }
0x20: {  	[sflag:s8] =	ssyncset.s32 @!p0 $0xFFFFF086;
	s6 =	sadd.s32 @!p0 s3, s7;
	s7 =	simm.s32 @!p0 $0x108  }
0x21: {  	s3 =	sadd.s32 s3, s9;
	s6 =	sadd.s32 @!p0 $0x88, s6;
	s7 =	simm.s32 @p2 $0x1082  }
0x22: {  	[simem:s7], [sflag:s8] =	dma.local @!p0 [hbm:s6], $0xF7A  }
0x23: {  	s9 =	sor.u32 $0xD0000000, s2;
	s6 =	simm.s32 $0x108;
	_ =	swait.ge @!p0 [sflag:s8], $0x0  }
0x24: {  	s3 =	sadd.s32 $0x88, s3;
	s6 =	simm.s32 @!p1 $0x1082;
	[sflag:s4] =	ssyncset.s32 $0xFFFFF086  }
0x25: {  	[simem:s6], [sflag:s4] =	dma.local [hbm:s3], $0xF7A  }
0x26: {  	[smem:$0x3F9B] =	sst s1;
	(tag) =	ssettag s2;
	_ =	strace s9  }
0x27: {  	s1 =	sld [smem:$0x3FAB]  }
0x28: {  	s2 =	sld [smem:$0x3FAC]  }
0x29: {  	s4 =	sld [smem:$0x3FAE]  }
0x2a: {  	p0 =	seq.s32 s5, $0x0;
	s5 =	sld [smem:$0x3FAF]  }
0x2b: {  	s6 =	sld [smem:$0x3FB0]  }
0x2c: {  	s7 =	sld [smem:$0x3FB1]  }
0x2d: {  	s3 =	simm.s32 $0x108;
	s8 =	sld [smem:$0x3FB2]  }
0x2e: {  	s3 =	simm.s32 @!p0 $0x1082;
	s9 =	sld [smem:$0x3FB3]  }
0x2f: {  	lr =	sadd.s32 s0, s3;
	s0 =	sld [smem:$0x3FAA]  }
0x30: {  	s3 =	sld [smem:$0x3FAD]  }
0x31: {  	[smem:$0x3FB6] =	sst s10  }
0x32: {  	s10 =	sld [smem:$0x3FB4];
	_ =	sdelay $0x3  }
0x33: {  	p0 =	seq.s32 s10, $0x1;
	s10 =	sld [smem:$0x3FB6];
	_ =	sdelay $0x3  }
0x34: {  	[smem:$0x3FB6] =	sst s10  }
0x35: {  	s10 =	sld [smem:$0x3FB5];
	_ =	sdelay $0x3  }
0x36: {  	p1 =	seq.s32 s10, $0x1;
	s10 =	sld [smem:$0x3FB6];
	_ =	sdelay $0x3  }
0x37: {  	[smem:$0x3FB6] =	sst s10  }
0x38: {  	s10 =	sld [smem:$0x3FB7]  }
0x39: {  	_ = 	snop;
	(pc) =	sbr.ind lr, $3  }
0x3a: {  	_ = 	snop  }
0x3b: {  	_ = 	snop  }
0x3c: {  	p2 =	seq.s32 s10, $0x1;
	s10 =	sld [smem:$0x3FB6]  }
0x3d: {  	_ =	shalt  }
0x3e: {  	_ =	shalt  }
0x3f: {  	_ =	shalt  }
0x40: {  	_ =	shalt  }
0x41: {  	_ =	shalt  }
0x42: {  	_ =	shalt  }
0x43: {  	_ =	shalt  }
0x44: {  	_ =	shalt  }
0x45: {  	_ =	shalt  }
0x46: {  	_ =	shalt  }
0x47: {  	_ =	shalt  }
0x48: {  	_ =	shalt  }
0x49: {  	_ =	shalt  }
0x4a: {  	_ =	shalt  }
0x4b: {  	_ =	shalt  }
0x4c: {  	_ =	shalt  }
0x4d: {  	_ =	shalt  }
0x4e: {  	_ =	shalt  }
0x4f: {  	_ =	shalt  }
0x50: {  	_ =	shalt  }
0x51: {  	_ =	shalt  }
0x52: {  	_ =	shalt  }
0x53: {  	_ =	shalt  }
0x54: {  	_ =	shalt  }
0x55: {  	_ =	shalt  }
0x56: {  	_ =	shalt  }
0x57: {  	_ =	shalt  }
0x58: {  	_ =	shalt  }
0x59: {  	_ =	shalt  }
0x5a: {  	_ =	shalt  }
0x5b: {  	_ =	shalt  }
0x5c: {  	_ =	shalt  }
0x5d: {  	_ =	shalt  }
0x5e: {  	_ =	shalt  }
0x5f: {  	_ =	shalt  }
0x60: {  	_ =	shalt  }
0x61: {  	_ =	shalt  }
0x62: {  	_ =	shalt  }
0x63: {  	_ =	shalt  }
0x64: {  	_ =	shalt  }
0x65: {  	_ =	shalt  }
0x66: {  	_ =	shalt  }
0x67: {  	_ =	shalt  }
0x68: {  	_ =	shalt  }
0x69: {  	_ =	shalt  }
0x6a: {  	_ =	shalt  }
0x6b: {  	_ =	shalt  }
0x6c: {  	_ =	shalt  }
0x6d: {  	_ =	shalt  }
0x6e: {  	_ =	shalt  }
0x6f: {  	_ =	shalt  }
0x70: {  	_ =	shalt  }
0x71: {  	_ =	shalt  }
0x72: {  	_ =	shalt  }
0x73: {  	_ =	shalt  }
0x74: {  	_ =	shalt  }
0x75: {  	_ =	shalt  }
0x76: {  	_ =	shalt  }
0x77: {  	_ =	shalt  }
0x78: {  	_ =	shalt  }
0x79: {  	_ =	shalt  }
0x7a: {  	_ =	shalt  }
0x7b: {  	_ =	shalt  }
0x7c: {  	_ =	shalt  }
0x7d: {  	_ =	shalt  }
0x7e: {  	_ =	shalt  }
0x7f: {  	_ =	shalt  }
0x80: {  	_ =	shalt  }
0x81: {  	_ =	shalt  }
0x82: {  	_ =	shalt  }
0x83: {  	_ =	shalt  }
0x84: {  	_ =	shalt  }
0x85: {  	_ =	shalt  }
0x86: {  	_ =	shalt  }
0x87: {  	_ =	shalt  }
.Lfunc_end0:
.L_simem_size_0:
called_computation.2_lowered:
.L_overlay_start_0:
0x88: {  	s2 =	sld [smem:$0x3FD9]  }
0x89: {  	s3 =	sld [smem:$0x3FFE];
	_ =	sdelay $0x1  }
0x8a: {  	s1 =	srdreg.scid  }
0x8b: {  	s0 =	sand.u32 $0x1, s1  }
0x8c: {  	s17 =	sshll.u32 s0, $0xA;
	s2 =	sadd.s32 s3, s2  }
0x8d: {  	s2 =	sadd.s32 s2, s17  }
0x8e: {  	[smem:$0x3FC2] =	sst s2  }
0x8f: {  	_ = 	snop  }
0x90: {  	s2 =	sld [smem:$0x3FD0];
	(tm) =	ssettm $0x1  }
0x91: {  	s18 =	sld [smem:$0x3FFB];
	_ =	sdelay $0x3  }
0x92: {  	_ =	strace s18  }
0x93: {  	s3 =	sld [smem:$0x3FFC];
	_ =	sdelay $0x3  }
0x94: {  	_ =	strace s3  }
0x95: {  	s3 =	sld [smem:$0x3FFD];
	_ =	sdelay $0x3  }
0x96: {  	_ =	strace s3  }
0x97: {  	_ =	strace $0x8FFFFFFF  }
0x98: {  	s19 =	sld [smem:$0x3FDB];
	_ =	sdelay $0x1  }
0x99: {  	s4 =	simm.s32 $_scs_section_size  }
0x9a: {  	s5 =	simm.s32 $_size__tile_overlayer_lowered;
	s6 =	simm.s32 $_tile_overlayer_lowered  }
0x9b: {  	s22 =	simm.s32 $0x1BFF;
	s21 =	sshll.u32 s6, $0x1;
	s3 =	sadd.s32 s4, s19  }
0x9c: {  	s7 =	simm.s32 $0x0;
	s20 =	sshll.u32 s5, $0x1;
	s5 =	sadd.s32 s21, s3  }
0x9d: {  	[timem:s7], [sflag:s22] =	dma.local [hbm:s5], s20  }
0x9e: {  	_ =	swait.ge [sflag:s22], s20  }
0x9f: {  	s4 =	ssub.s32 $0x0, s20;
	[sflag:s22] =	ssyncset.done $0x0  }
0xa0: {  	[sflag:s22] =	ssyncadd.s32 s4;
	_ =	sdelay $0x1  }
0xa1: {  	s23 =	simm.s32 $0x1B8B  }
0xa2: {  	_ =	swait.ge [sflag:s23], $0x1  }
0xa3: {  	[sflag:s23] =	ssyncset.done $0x0  }
0xa4: {  	s25 =	simm.s32 $0x1B8E;
	s24 =	sld [smem:$0x3FFE];
	[sflag:s23] =	ssyncadd.s32 $0xFFFFFFFF  }
0xa5: {  	s26 =	simm.s32 $execute0_lowered;
	[smem:$0x3FD2] =	sst s25  }
0xa6: {  	s5 =	sshll.u32 s26, $0x1;
	_ =	strace $0x8000004C;
	[dreg:$0x1] =	wrdreg $0xFFFFFFFF  }
0xa7: {  	s28 =	simm.s32 $_size_execute0_lowered;
	s3 =	sadd.s32 s3, s5;
	[dreg:$0x0] =	wrdreg $0x0  }
0xa8: {  	s5 =	sshll.u32 s28, $0x1;
	[dreg:$0x2] =	wrdreg s3  }
0xa9: {  	[dreg:$0x3] =	wrdreg s5  }
0xaa: {  	[dreg:$0x4] =	wrdreg $0xC0  }
0xab: {  	_ =	task [dreg:s7], $0x5FFFF  }
0xac: {  	[dreg:$0x1] =	wrdreg $0xFFFFFFFF  }
0xad: {  	[dreg:$0x0] =	wrdreg $0x60  }
0xae: {  	[dreg:$0x2] =	wrdreg s2  }
0xaf: {  	[dreg:$0x3] =	wrdreg s24  }
0xb0: {  	[dreg:$0x4] =	wrdreg $0xB0000  }
0xb1: {  	[dreg:$0x5] =	wrdreg $0x9  }
0xb2: {  	_ =	task.clear_ibuf [dreg:s7], $0x6FFFF;
	_ =	strace $0x9000004C  }
0xb3: {  	s29 =	simm.s32 $0x9;
	_ =	strace $0x8000004E  }
0xb4: {  	_ =	swait.ge [sflag:s29], $0x1  }
0xb5: {  	[sflag:s29] =	ssyncadd.s32 $0xFFFFFFFF  }
0xb6: {  	_ =	strace $0x9000004E  }
0xb7: {  	_ =	sfence  }
0xb8: {  	s30 =	sld [smem:$0x0];
	_ =	sdelay $0x2  }
0xb9: {  	s31 =	sshll.u32 s1, $0xD;
	s1 =	sshrl.u32 s1, $0x2  }
0xba: {  	s3 =	sand.u32 $0x4000, s31;
	s1 =	sadd.s32 s1, s30  }
0xbb: {  	s0 =	sor.u32 s3, s0;
	s1 =	sshll.u32 s1, $0x11  }
0xbc: {  	s0 =	sor.u32 s1, s0  }
0xbd: {  	s0 =	sadd.s32 $0x8F2B, s0  }
0xbe: {  	[sflag:s0] =	ssyncadd.remote.s32 $0x1  }
0xbf: {  	_ =	sfence.sel $0xFFFF  }
0xc0: {  	[dreg:$0x0] =	wrdreg $0xFFFFFFFF;
	(pc) =	sbr.abs _section_cstart, $3  }
0xc1: {  	[dreg:$0x1] =	wrdreg $0xFFFFFFFF  }
0xc2: {  	_ =	task.clear_ibuf [dreg:s7], $0x2FFFF;
	_ =	strace $0x9FFFFFFF  }
0xc3: {  	(tm) =	ssettm $0x7FFFFFFF  }
tec
execute0_lowered:
.L_overlay_start_1:
0x0: {  	(tag) =	ssettag $0x1  }
0x1: {  	s2 =	rddreg [dreg:$0x0]  }
0x2: {  	s6 =	rddreg [dreg:$0x1]  }
0x3: {  	s0 =	srdreg.scid;
	s3 =	rddreg [dreg:$0x2];
	s4 =	simm.s32 $0x0  }
0x4: {  	s19 =	simm.s32 $0x9000;
	s20 =	simm.s32 $0x2;
	s21 =	simm.s32 $0x2800  }
0x5: {  	s22 =	simm.s32 $0x80;
	s23 =	simm.s32 $0x5000;
	s5 =	sand.u32 $0x1, s0  }
0x6: {  	s24 =	simm.s32 $0x1;
	s0 =	stileid.u32;
	s8 =	smul.u32 $0x140000, s5  }
0x7: {  	[smem:$0x7FF] =	sst s4;
	s1 =	sshll.u32 s5, $0x4;
	s9 =	smul.u32 $0x14000, s0  }
0x8: {  	s10 =	smul.u32 $0x50000, s0;
	s29 =	ssub.s32 $0x2, s5;
	s1 =	sor.u32 s0, s1  }
0x9: {  	s31 =	sshrl.u32 s29, $0x1;
	s7 =	smul.u32 $0x500, s1;
	s1 =	rddreg [dreg:$0x3]  }
0xa: {  	_ =	strace $0x8000004D;
	s30 =	sshrl.u32 s10, $0x2;
	s18 =	ssub.s32 s29, s31  }
0xb: {  	s28 =	sadd.s32 s9, s8;
	s5 =	sadd.s32 s30, s3;
	s18 =	smax.u32 s18, $0x1  }
0xc: {  	s16 =	sadd.s32 s7, s6;
	s7 =	sshrl.u32 s28, $0x3;
	s8 =	sadd.s32 $0x6000, s5  }
0xd: {  	s9 =	sadd.s32 $0x8000, s5;
	s10 =	sadd.s32 $0xA000, s5;
	s11 =	sadd.s32 $0xC000, s5  }
0xe: {  	s12 =	sadd.s32 $0xE000, s5;
	s13 =	sadd.s32 $0x10000, s5;
	s14 =	sadd.s32 $0x12000, s5  }
0xf: {  	s17 =	sadd.s32 s7, s6;
	s6 =	sadd.s32 $0x2000, s5;
	s7 =	sadd.s32 $0x4000, s5  }
0x10: {  	v0 =	vimm.f32 $0.0e+00;
	s15 =	sadd.s32 $0x52A00, s16;
	s16 =	sadd.s32 $0x5CA00, s16;
	s17 =	sadd.s32 $0x66A00, s17  }
.LBB2_1:
0x11: {  	s25 =	simm.s32 $0x0;
	s26 =	simm.s32 $0x200  }
.LBB2_2:
0x12: {  	p0 =	sne.s32 s26, $0x7E00;
	[tilespmem:s25+$0x9070] =	vst v0  }
0x13: {  	[tilespmem:s25+$0x9000] =	vst v0  }
0x14: {  	[tilespmem:s25+$0x9010] =	vst v0  }
.Ltmp0:
0x15: {  	[tilespmem:s25+$0x9020] =	vst v0;
	(pc) =	sbr.rel @p0 .LBB2_2-.Ltmp0, $4  }
0x16: {  	[tilespmem:s25+$0x9030] =	vst v0  }
0x17: {  	[tilespmem:s25+$0x9040] =	vst v0  }
0x18: {  	[tilespmem:s25+$0x9050] =	vst v0  }
0x19: {  	[tilespmem:s25+$0x9060] =	vst v0;
	s25 =	sshra.s32 s26, $0x2;
	s26 =	sadd.s32 $0x200, s26  }
0x1a: {  	[tilespmem:s25+$0x9070] =	vst v0  }
0x1b: {  	[tilespmem:s25+$0x9000] =	vst v0  }
0x1c: {  	[tilespmem:s25+$0x9010] =	vst v0  }
0x1d: {  	[tilespmem:s25+$0x9020] =	vst v0  }
0x1e: {  	[tilespmem:s25+$0x9030] =	vst v0  }
0x1f: {  	[tilespmem:s25+$0x9040] =	vst v0  }
0x20: {  	[tilespmem:s25+$0x9050] =	vst v0  }
0x21: {  	[tilespmem:s25+$0x9060] =	vst v0  }
0x22: {  	[spmem:s5] =	stream.linear.scatter [tilespmem:s19], [sflag:$0x2], $0x2000, $0x38;
	[tilespmem:$0x1F000] =	vst v63  }
0x23: {  	_ =	swait.ge [sflag:s20], $0x2000  }
0x24: {  	[sflag:s20] =	ssyncset.done $0x0  }
0x25: {  	[sflag:s20] =	ssyncadd.s32 $0xFFFFE000  }
0x26: {  	[spmem:s6] =	stream.linear.scatter [tilespmem:s19], [sflag:$0x2], $0x2000, $0x38;
	[tilespmem:$0x1F000] =	vst v63  }
0x27: {  	_ =	swait.ge [sflag:s20], $0x2000  }
0x28: {  	[sflag:s20] =	ssyncset.done $0x0  }
0x29: {  	[sflag:s20] =	ssyncadd.s32 $0xFFFFE000  }
0x2a: {  	[spmem:s7] =	stream.linear.scatter [tilespmem:s19], [sflag:$0x2], $0x2000, $0x38;
	[tilespmem:$0x1F000] =	vst v63  }
0x2b: {  	_ =	swait.ge [sflag:s20], $0x2000  }
0x2c: {  	[sflag:s20] =	ssyncset.done $0x0  }
0x2d: {  	[sflag:s20] =	ssyncadd.s32 $0xFFFFE000  }
0x2e: {  	[spmem:s8] =	stream.linear.scatter [tilespmem:s19], [sflag:$0x2], $0x2000, $0x38;
	[tilespmem:$0x1F000] =	vst v63  }
0x2f: {  	_ =	swait.ge [sflag:s20], $0x2000  }
0x30: {  	[sflag:s20] =	ssyncset.done $0x0  }
0x31: {  	[sflag:s20] =	ssyncadd.s32 $0xFFFFE000  }
0x32: {  	[spmem:s9] =	stream.linear.scatter [tilespmem:s19], [sflag:$0x2], $0x2000, $0x38;
	[tilespmem:$0x1F000] =	vst v63  }
0x33: {  	_ =	swait.ge [sflag:s20], $0x2000  }
0x34: {  	[sflag:s20] =	ssyncset.done $0x0  }
0x35: {  	[sflag:s20] =	ssyncadd.s32 $0xFFFFE000  }
0x36: {  	[spmem:s10] =	stream.linear.scatter [tilespmem:s19], [sflag:$0x2], $0x2000, $0x38;
	[tilespmem:$0x1F000] =	vst v63  }
0x37: {  	_ =	swait.ge [sflag:s20], $0x2000  }
0x38: {  	[sflag:s20] =	ssyncset.done $0x0  }
0x39: {  	[sflag:s20] =	ssyncadd.s32 $0xFFFFE000  }
0x3a: {  	[spmem:s11] =	stream.linear.scatter [tilespmem:s19], [sflag:$0x2], $0x2000, $0x38;
	[tilespmem:$0x1F000] =	vst v63  }
0x3b: {  	_ =	swait.ge [sflag:s20], $0x2000  }
0x3c: {  	[sflag:s20] =	ssyncset.done $0x0  }
0x3d: {  	[sflag:s20] =	ssyncadd.s32 $0xFFFFE000  }
0x3e: {  	[spmem:s12] =	stream.linear.scatter [tilespmem:s19], [sflag:$0x2], $0x2000, $0x38;
	[tilespmem:$0x1F000] =	vst v63  }
0x3f: {  	_ =	swait.ge [sflag:s20], $0x2000  }
0x40: {  	[sflag:s20] =	ssyncset.done $0x0  }
0x41: {  	[sflag:s20] =	ssyncadd.s32 $0xFFFFE000  }
0x42: {  	[spmem:s13] =	stream.linear.scatter [tilespmem:s19], [sflag:$0x2], $0x2000, $0x38;
	[tilespmem:$0x1F000] =	vst v63  }
0x43: {  	_ =	swait.ge [sflag:s20], $0x2000  }
0x44: {  	[sflag:s20] =	ssyncset.done $0x0  }
0x45: {  	[sflag:s20] =	ssyncadd.s32 $0xFFFFE000  }
0x46: {  	[spmem:s14] =	stream.linear.scatter [tilespmem:s19], [sflag:$0x2], $0x2000, $0x38;
	[tilespmem:$0x1F000] =	vst v63  }
0x47: {  	_ =	swait.ge [sflag:s20], $0x2000  }
0x48: {  	[sflag:s20] =	ssyncset.done $0x0  }
0x49: {  	s29 =	simm.s32 $0x0;
	[sflag:s20] =	ssyncadd.s32 $0xFFFFE000  }
0x4a: {  	[tilespmem:s29], [sflag:$0x2] =	stream.linear.gather [hbm4b:s15+s29], $0x2780, $0x38;
	[tilespmem:$0x1F000] =	vst v63  }
0x4b: {  	_ =	swait.ge [sflag:s20], $0x2780  }
0x4c: {  	[sflag:s20] =	ssyncset.done $0x0  }
0x4d: {  	[sflag:s20] =	ssyncadd.s32 $0xFFFFD880  }
0x4e: {  	[tilespmem:s21], [sflag:$0x2] =	stream.linear.gather [hbm4b:s16+s29], $0x2780, $0x38;
	[tilespmem:$0x1F000] =	vst v63  }
0x4f: {  	_ =	swait.ge [sflag:s20], $0x2780  }
0x50: {  	[sflag:s20] =	ssyncset.done $0x0  }
0x51: {  	[sflag:s20] =	ssyncadd.s32 $0xFFFFD880  }
0x52: {  	s30 =	simm.s32 $0x0;
	[bflag:$0x0] =	sbarrier.arrive $0xFFFF  }
0x53: {  	[tilespmem:s23], [sflag:$0x1] =	stream.indirect.gather [hbm4b:s2+s22], $0x80, s30, s22, $0xb8;
	[tilespmem:$0x1F000] =	vst v63  }
0x54: {  	_ =	swait.ge [sflag:s24], $0x4000  }
0x55: {  	[sflag:s24] =	ssyncset.done $0x0  }
0x56: {  	s31 =	simm.s32 $0x2800;
	[sflag:s24] =	ssyncadd.s32 $0xFFFFC000  }
0x57: {  	[spmem:s3] =	stream.indirect.scatter.add.f32 [tilespmem:s23], [sflag:$0x2], $0x80, s31, s22, $0xb8;
	[tilespmem:$0x1F000] =	vst v63  }
0x58: {  	_ =	swait.ge [sflag:s20], $0x4000  }
0x59: {  	s25 =	simm.s32 $0x200;
	s26 =	simm.s32 $0x400;
	[sflag:s20] =	ssyncset.done $0x0  }
.LBB2_4:
0x5a: {  	s28 =	sshra.s32 s25, $0x2  }
0x5b: {  	[sflag:s20] =	ssyncadd.s32 $0xFFFFC000;
	s25 =	smov.u32 s26;
	s29 =	sadd.s32 $0x200, s26  }
0x5c: {  	[tilespmem:s23], [sflag:$0x1] =	stream.indirect.gather [hbm4b:s2+s22], $0x80, s28, s22, $0xb8;
	[tilespmem:$0x1F000] =	vst v63  }
0x5d: {  	p0 =	sne.s32 s26, $0x9C00;
	_ =	swait.ge [sflag:s24], $0x4000  }
.Ltmp1:
0x5e: {  	[sflag:s24] =	ssyncset.done $0x0;
	(pc) =	sbr.rel @p0 .LBB2_4-.Ltmp1, $4  }
0x5f: {  	s26 =	sadd.s32 $0x2800, s28;
	[sflag:s24] =	ssyncadd.s32 $0xFFFFC000  }
0x60: {  	[spmem:s3] =	stream.indirect.scatter.add.f32 [tilespmem:s23], [sflag:$0x2], $0x80, s26, s22, $0xb8;
	[tilespmem:$0x1F000] =	vst v63  }
0x61: {  	_ =	swait.ge [sflag:s20], $0x4000  }
0x62: {  	s26 =	smov.u32 s29;
	[sflag:s20] =	ssyncset.done $0x0  }
0x63: {  	s25 =	sshra.s32 s25, $0x2;
	[sflag:s20] =	ssyncadd.s32 $0xFFFFC000  }
0x64: {  	[tilespmem:s23], [sflag:$0x1] =	stream.indirect.gather [hbm4b:s2+s22], $0x80, s25, s22, $0xb8;
	[tilespmem:$0x1F000] =	vst v63  }
0x65: {  	_ =	swait.ge [sflag:s24], $0x4000  }
0x66: {  	[sflag:s24] =	ssyncset.done $0x0  }
0x67: {  	s25 =	sadd.s32 $0x2800, s25;
	[sflag:s24] =	ssyncadd.s32 $0xFFFFC000  }
0x68: {  	[spmem:s3] =	stream.indirect.scatter.add.f32 [tilespmem:s23], [sflag:$0x2], $0x80, s25, s22, $0xb8;
	[tilespmem:$0x1F000] =	vst v63  }
0x69: {  	_ =	swait.ge [sflag:s20], $0x4000  }
0x6a: {  	s31 =	sshll.u32 s0, $0x6;
	s4 =	sadd.s32 $0x1, s4;
	[sflag:s20] =	ssyncset.done $0x0  }
0x6b: {  	s26 =	sshrl.u32 s5, $0x3;
	p0 =	sne.s32 s4, s18;
	[sflag:s20] =	ssyncadd.s32 $0xFFFFC000  }
.Ltmp2:
0x6c: {  	s25 =	sor.u32 $0x1C02, s31;
	[bflag:$0x0] =	sbarrier.arrive $0xFFFF;
	(pc) =	sbr.rel @p0 .LBB2_1-.Ltmp2, $4  }
0x6d: {  	[hbm:s17], [sflag:s25] =	dma.local [spmem:s26], $0x2800  }
0x6e: {  	_ =	swait.ge [sflag:s20], $0x2800  }
0x6f: {  	[sflag:s20] =	ssyncset.done $0x0  }
0x70: {  	[sflag:s20] =	ssyncadd.s32 $0xFFFFD800  }
0x71: {  	_ =	sfence.sel $0x180000  }
0x72: {  	[bflag:$0x0] =	sbarrier.arrive $0xFFFF  }
0x73: {  	p0 =	sne.s32 s0, $0x0;
	_ =	strace $0x9000004D  }
0x74: {  	s0 =	sadd.s32 @!p0 $0x100000, s1;
	[bflag:$0x2] =	sbarrier.arrive $0xFFFF  }
0x75: {  	[sflag:s0] =	ssyncadd.tile.s32 @!p0 $0x1;
	_ =	shalt  }
.Lfunc_end2:
_tile_overlayer_lowered:
.L_overlay_start_2:
0x76: {  	(tag) =	ssettag $0x2  }
0x77: {  	s0 =	rddreg [dreg:$0x0];
	s2 =	stileid.u32  }
0x78: {  	s1 =	rddreg [dreg:$0x1];
	p0 =	sne.s32 s2, $0x0  }
0x79: {  	s3 =	rddreg [dreg:$0x2];
	[bflag:$0x3] =	sbarrier.arrive $0xFFFF;
	s2 =	simm.s32 @!p0 $0x1C02  }
0x7a: {  	[timem:s3], [sflag:s2] =	dma.local @!p0 [hbm:s0], s1  }
0x7b: {  	s0 =	simm.s32 @!p0 $0x2  }
0x7c: {  	_ =	swait.ge @!p0 [sflag:s0], s1  }
0x7d: {  	s1 =	ssub.s32 @!p0 $0x0, s1;
	[sflag:s0] =	ssyncset.done @!p0 $0x0  }
0x7e: {  	[sflag:s0] =	ssyncadd.s32 @!p0 s1  }
0x7f: {  	[bflag:$0x3] =	sbarrier.arrive $0xFFFF  }
0x80: {  	_ =	shalt  }

// kernel: kernel.8.cloned.1.call-start
scs
__scs_entry_jumppad:
0x0: {  	(pc) =	sbr.rel $0x88, $3  }
0x1: {  	(tag) =	ssettag $0x0;
	lr =	simm.s32 $0x1  }
0x2: {  	[smem:$0x3F9B] =	sst lr;
	_ =	strace $0xD0000000  }
0x3: {  	_ = 	snop  }
0x4: {  	_ = 	snop  }
0x5: {  	_ = 	snop  }
0x6: {  	_ = 	snop  }
0x7: {  	_ = 	snop  }
__scs_overlays_trampoline_lowered:
0x8: {  	[smem:$0x3FAA] =	sst s0  }
0x9: {  	[smem:$0x3FAB] =	sst s1  }
0xa: {  	[smem:$0x3FAC] =	sst s2  }
0xb: {  	[smem:$0x3FAD] =	sst s3  }
0xc: {  	[smem:$0x3FAE] =	sst s4  }
0xd: {  	[smem:$0x3FAF] =	sst s5  }
0xe: {  	[smem:$0x3FB0] =	sst s6  }
0xf: {  	[smem:$0x3FB1] =	sst s7  }
0x10: {  	[smem:$0x3FB2] =	sst s8  }
0x11: {  	[smem:$0x3FB3] =	sst s9;
	s0 =	simm.s32 @!p0 $0x0  }
0x12: {  	s1 =	sld [smem:$0x3F99];
	s0 =	simm.s32 @p0 $0x1  }
0x13: {  	[smem:$0x3FB4] =	sst s0;
	s0 =	simm.s32 @!p1 $0x0  }
0x14: {  	s2 =	sld [smem:$0x3F98];
	s0 =	simm.s32 @p1 $0x1  }
0x15: {  	[smem:$0x3FB5] =	sst s0;
	s0 =	simm.s32 @!p2 $0x0  }
0x16: {  	s3 =	sld [smem:$0x3FDB];
	s0 =	simm.s32 @p2 $0x1  }
0x17: {  	s4 =	simm.s32 $0x1BF5;
	[smem:$0x3FB7] =	sst s0  }
0x18: {  	s0 =	sld [smem:$0x3F9A];
	_ =	swait.ge [sflag:s4], $0x0  }
0x19: {  	s7 =	sld [smem:$0x3F9B]  }
0x1a: {  	s8 =	sadd.s32 $0xFFFFE003, lr  }
0x1b: {  	s9 =	sadd.s32 $0xFFFFFEF7, lr;
	s5 =	simm.s32 $0xFFFFFFFF;
	p2 =	slt.u32 s8, $0xFFFFF086  }
0x1c: {  	p1 =	slt.u32 s9, $0xF7A;
	s5 =	simm.s32 @!p2 $0x0  }
0x1d: {  	s5 =	simm.s32 @p1 $0x1;
	p0 =	seq.s32 s7, s2  }
0x1e: {  	s7 =	smul.u32 @!p0 $0xF7A, s2;
	p2 =	seq.s32 @!p0 s5, $0x0  }
0x1f: {  	s9 =	smul.u32 $0xF7A, s1;
	s8 =	simm.s32 @!p0 $0x1BF5;
	p2 =	por !p2, p0  }
0x20: {  	[sflag:s8] =	ssyncset.s32 @!p0 $0xFFFFF086;
	s6 =	sadd.s32 @!p0 s3, s7;
	s7 =	simm.s32 @!p0 $0x108  }
0x21: {  	s3 =	sadd.s32 s3, s9;
	s6 =	sadd.s32 @!p0 $0x88, s6;
	s7 =	simm.s32 @p2 $0x1082  }
0x22: {  	[simem:s7], [sflag:s8] =	dma.local @!p0 [hbm:s6], $0xF7A  }
0x23: {  	s9 =	sor.u32 $0xD0000000, s2;
	s6 =	simm.s32 $0x108;
	_ =	swait.ge @!p0 [sflag:s8], $0x0  }
0x24: {  	s3 =	sadd.s32 $0x88, s3;
	s6 =	simm.s32 @!p1 $0x1082;
	[sflag:s4] =	ssyncset.s32 $0xFFFFF086  }
0x25: {  	[simem:s6], [sflag:s4] =	dma.local [hbm:s3], $0xF7A  }
0x26: {  	[smem:$0x3F9B] =	sst s1;
	(tag) =	ssettag s2;
	_ =	strace s9  }
0x27: {  	s1 =	sld [smem:$0x3FAB]  }
0x28: {  	s2 =	sld [smem:$0x3FAC]  }
0x29: {  	s4 =	sld [smem:$0x3FAE]  }
0x2a: {  	p0 =	seq.s32 s5, $0x0;
	s5 =	sld [smem:$0x3FAF]  }
0x2b: {  	s6 =	sld [smem:$0x3FB0]  }
0x2c: {  	s7 =	sld [smem:$0x3FB1]  }
0x2d: {  	s3 =	simm.s32 $0x108;
	s8 =	sld [smem:$0x3FB2]  }
0x2e: {  	s3 =	simm.s32 @!p0 $0x1082;
	s9 =	sld [smem:$0x3FB3]  }
0x2f: {  	lr =	sadd.s32 s0, s3;
	s0 =	sld [smem:$0x3FAA]  }
0x30: {  	s3 =	sld [smem:$0x3FAD]  }
0x31: {  	[smem:$0x3FB6] =	sst s10  }
0x32: {  	s10 =	sld [smem:$0x3FB4];
	_ =	sdelay $0x3  }
0x33: {  	p0 =	seq.s32 s10, $0x1;
	s10 =	sld [smem:$0x3FB6];
	_ =	sdelay $0x3  }
0x34: {  	[smem:$0x3FB6] =	sst s10  }
0x35: {  	s10 =	sld [smem:$0x3FB5];
	_ =	sdelay $0x3  }
0x36: {  	p1 =	seq.s32 s10, $0x1;
	s10 =	sld [smem:$0x3FB6];
	_ =	sdelay $0x3  }
0x37: {  	[smem:$0x3FB6] =	sst s10  }
0x38: {  	s10 =	sld [smem:$0x3FB7]  }
0x39: {  	_ = 	snop;
	(pc) =	sbr.ind lr, $3  }
0x3a: {  	_ = 	snop  }
0x3b: {  	_ = 	snop  }
0x3c: {  	p2 =	seq.s32 s10, $0x1;
	s10 =	sld [smem:$0x3FB6]  }
0x3d: {  	_ =	shalt  }
0x3e: {  	_ =	shalt  }
0x3f: {  	_ =	shalt  }
0x40: {  	_ =	shalt  }
0x41: {  	_ =	shalt  }
0x42: {  	_ =	shalt  }
0x43: {  	_ =	shalt  }
0x44: {  	_ =	shalt  }
0x45: {  	_ =	shalt  }
0x46: {  	_ =	shalt  }
0x47: {  	_ =	shalt  }
0x48: {  	_ =	shalt  }
0x49: {  	_ =	shalt  }
0x4a: {  	_ =	shalt  }
0x4b: {  	_ =	shalt  }
0x4c: {  	_ =	shalt  }
0x4d: {  	_ =	shalt  }
0x4e: {  	_ =	shalt  }
0x4f: {  	_ =	shalt  }
0x50: {  	_ =	shalt  }
0x51: {  	_ =	shalt  }
0x52: {  	_ =	shalt  }
0x53: {  	_ =	shalt  }
0x54: {  	_ =	shalt  }
0x55: {  	_ =	shalt  }
0x56: {  	_ =	shalt  }
0x57: {  	_ =	shalt  }
0x58: {  	_ =	shalt  }
0x59: {  	_ =	shalt  }
0x5a: {  	_ =	shalt  }
0x5b: {  	_ =	shalt  }
0x5c: {  	_ =	shalt  }
0x5d: {  	_ =	shalt  }
0x5e: {  	_ =	shalt  }
0x5f: {  	_ =	shalt  }
0x60: {  	_ =	shalt  }
0x61: {  	_ =	shalt  }
0x62: {  	_ =	shalt  }
0x63: {  	_ =	shalt  }
0x64: {  	_ =	shalt  }
0x65: {  	_ =	shalt  }
0x66: {  	_ =	shalt  }
0x67: {  	_ =	shalt  }
0x68: {  	_ =	shalt  }
0x69: {  	_ =	shalt  }
0x6a: {  	_ =	shalt  }
0x6b: {  	_ =	shalt  }
0x6c: {  	_ =	shalt  }
0x6d: {  	_ =	shalt  }
0x6e: {  	_ =	shalt  }
0x6f: {  	_ =	shalt  }
0x70: {  	_ =	shalt  }
0x71: {  	_ =	shalt  }
0x72: {  	_ =	shalt  }
0x73: {  	_ =	shalt  }
0x74: {  	_ =	shalt  }
0x75: {  	_ =	shalt  }
0x76: {  	_ =	shalt  }
0x77: {  	_ =	shalt  }
0x78: {  	_ =	shalt  }
0x79: {  	_ =	shalt  }
0x7a: {  	_ =	shalt  }
0x7b: {  	_ =	shalt  }
0x7c: {  	_ =	shalt  }
0x7d: {  	_ =	shalt  }
0x7e: {  	_ =	shalt  }
0x7f: {  	_ =	shalt  }
0x80: {  	_ =	shalt  }
0x81: {  	_ =	shalt  }
0x82: {  	_ =	shalt  }
0x83: {  	_ =	shalt  }
0x84: {  	_ =	shalt  }
0x85: {  	_ =	shalt  }
0x86: {  	_ =	shalt  }
0x87: {  	_ =	shalt  }
.Lfunc_end0:
.L_simem_size_0:
called_computation_lowered:
.L_overlay_start_0:
0x88: {  	s2 =	sld [smem:$0x3FD9]  }
0x89: {  	s3 =	sld [smem:$0x3FFE];
	_ =	sdelay $0x1  }
0x8a: {  	s1 =	srdreg.scid  }
0x8b: {  	s0 =	sand.u32 $0x1, s1  }
0x8c: {  	s17 =	sshll.u32 s0, $0xA;
	s2 =	sadd.s32 s3, s2  }
0x8d: {  	s2 =	sadd.s32 s2, s17  }
0x8e: {  	[smem:$0x3FC2] =	sst s2  }
0x8f: {  	_ = 	snop  }
0x90: {  	s2 =	sld [smem:$0x3FD0];
	(tm) =	ssettm $0x1  }
0x91: {  	s18 =	sld [smem:$0x3FFB];
	_ =	sdelay $0x3  }
0x92: {  	_ =	strace s18  }
0x93: {  	s3 =	sld [smem:$0x3FFC];
	_ =	sdelay $0x3  }
0x94: {  	_ =	strace s3  }
0x95: {  	s3 =	sld [smem:$0x3FFD];
	_ =	sdelay $0x3  }
0x96: {  	_ =	strace s3  }
0x97: {  	_ =	strace $0x8FFFFFFF  }
0x98: {  	s19 =	sld [smem:$0x3FDB];
	_ =	sdelay $0x1  }
0x99: {  	s4 =	simm.s32 $_scs_section_size  }
0x9a: {  	s5 =	simm.s32 $_size__tile_overlayer_lowered;
	s6 =	simm.s32 $_tile_overlayer_lowered  }
0x9b: {  	s22 =	simm.s32 $0x1BFF;
	s21 =	sshll.u32 s6, $0x1;
	s3 =	sadd.s32 s4, s19  }
0x9c: {  	s7 =	simm.s32 $0x0;
	s20 =	sshll.u32 s5, $0x1;
	s5 =	sadd.s32 s21, s3  }
0x9d: {  	[timem:s7], [sflag:s22] =	dma.local [hbm:s5], s20  }
0x9e: {  	_ =	swait.ge [sflag:s22], s20  }
0x9f: {  	s4 =	ssub.s32 $0x0, s20;
	[sflag:s22] =	ssyncset.done $0x0  }
0xa0: {  	[sflag:s22] =	ssyncadd.s32 s4;
	_ =	sdelay $0x1  }
0xa1: {  	s23 =	simm.s32 $0x1B8B  }
0xa2: {  	_ =	swait.ge [sflag:s23], $0x1  }
0xa3: {  	[sflag:s23] =	ssyncset.done $0x0  }
0xa4: {  	s25 =	simm.s32 $0x1B8E;
	s24 =	sld [smem:$0x3FFE];
	[sflag:s23] =	ssyncadd.s32 $0xFFFFFFFF  }
0xa5: {  	s26 =	simm.s32 $execute0_lowered;
	[smem:$0x3FD2] =	sst s25  }
0xa6: {  	s5 =	sshll.u32 s26, $0x1;
	_ =	strace $0x80000046;
	[dreg:$0x1] =	wrdreg $0xFFFFFFFF  }
0xa7: {  	s28 =	simm.s32 $_size_execute0_lowered;
	s3 =	sadd.s32 s3, s5;
	[dreg:$0x0] =	wrdreg $0x0  }
0xa8: {  	s5 =	sshll.u32 s28, $0x1;
	[dreg:$0x2] =	wrdreg s3  }
0xa9: {  	[dreg:$0x3] =	wrdreg s5  }
0xaa: {  	[dreg:$0x4] =	wrdreg $0xC0  }
0xab: {  	_ =	task [dreg:s7], $0x5FFFF  }
0xac: {  	[dreg:$0x1] =	wrdreg $0xFFFFFFFF  }
0xad: {  	[dreg:$0x0] =	wrdreg $0x60  }
0xae: {  	[dreg:$0x2] =	wrdreg s2  }
0xaf: {  	[dreg:$0x3] =	wrdreg s24  }
0xb0: {  	[dreg:$0x4] =	wrdreg $0xB0000  }
0xb1: {  	[dreg:$0x5] =	wrdreg $0x9  }
0xb2: {  	_ =	task.clear_ibuf [dreg:s7], $0x6FFFF;
	_ =	strace $0x90000046  }
0xb3: {  	s29 =	simm.s32 $0x9;
	_ =	strace $0x80000048  }
0xb4: {  	_ =	swait.ge [sflag:s29], $0x1  }
0xb5: {  	[sflag:s29] =	ssyncadd.s32 $0xFFFFFFFF  }
0xb6: {  	_ =	strace $0x90000048  }
0xb7: {  	_ =	sfence  }
0xb8: {  	s30 =	sld [smem:$0x0];
	_ =	sdelay $0x2  }
0xb9: {  	s31 =	sshll.u32 s1, $0xD;
	s1 =	sshrl.u32 s1, $0x2  }
0xba: {  	s3 =	sand.u32 $0x4000, s31;
	s1 =	sadd.s32 s1, s30  }
0xbb: {  	s0 =	sor.u32 s3, s0;
	s1 =	sshll.u32 s1, $0x11  }
0xbc: {  	s0 =	sor.u32 s1, s0  }
0xbd: {  	s0 =	sadd.s32 $0x8F2B, s0  }
0xbe: {  	[sflag:s0] =	ssyncadd.remote.s32 $0x1  }
0xbf: {  	_ =	sfence.sel $0xFFFF  }
0xc0: {  	[dreg:$0x0] =	wrdreg $0xFFFFFFFF;
	(pc) =	sbr.abs _section_cstart, $3  }
0xc1: {  	[dreg:$0x1] =	wrdreg $0xFFFFFFFF  }
0xc2: {  	_ =	task.clear_ibuf [dreg:s7], $0x2FFFF;
	_ =	strace $0x9FFFFFFF  }
0xc3: {  	(tm) =	ssettm $0x7FFFFFFF  }
tec
execute0_lowered:
.L_overlay_start_1:
0x0: {  	(tag) =	ssettag $0x1  }
0x1: {  	s14 =	rddreg [dreg:$0x0]  }
0x2: {  	s6 =	rddreg [dreg:$0x1]  }
0x3: {  	s0 =	srdreg.scid;
	s2 =	rddreg [dreg:$0x2]  }
0x4: {  	s1 =	rddreg [dreg:$0x3];
	s4 =	sand.u32 $0x1, s0  }
0x5: {  	s0 =	stileid.u32;
	s5 =	smul.u32 $0x140000, s4  }
0x6: {  	s3 =	simm.s32 $0x0;
	s18 =	simm.s32 $0x1;
	s7 =	smul.u32 $0x14000, s0  }
0x7: {  	s19 =	simm.s32 $0x80;
	s20 =	simm.s32 $0x5000;
	s29 =	smul.u32 $0x50000, s0  }
0x8: {  	[smem:$0x7FF] =	sst s3;
	s30 =	ssub.s32 $0x2, s4;
	s10 =	smul.u32 $0x50000, s4  }
0x9: {  	_ =	strace $0x80000047;
	s11 =	smul.u32 $0x5000, s0;
	s31 =	sshrl.u32 s30, $0x1  }
0xa: {  	s5 =	sadd.s32 s7, s5;
	s7 =	sshrl.u32 s29, $0x2;
	s16 =	ssub.s32 s30, s31  }
0xb: {  	s12 =	sadd.s32 s11, s10;
	s5 =	sshrl.u32 s5, $0x3;
	s4 =	sadd.s32 s7, s2  }
0xc: {  	s17 =	sshrl.u32 s12, $0x3;
	s16 =	smax.u32 s16, $0x1;
	s15 =	sadd.s32 s5, s6  }
0xd: {  	s5 =	sadd.s32 $0x2000, s4;
	s6 =	sadd.s32 $0x4000, s4;
	s7 =	sadd.s32 $0x6000, s4  }
0xe: {  	s8 =	sadd.s32 $0x8000, s4;
	s9 =	sadd.s32 $0xA000, s4;
	s10 =	sadd.s32 $0xC000, s4  }
0xf: {  	s11 =	sadd.s32 $0xE000, s4;
	s12 =	sadd.s32 $0x10000, s4;
	s13 =	sadd.s32 $0x12000, s4  }
0x10: {  	v0 =	vimm.f32 $1.000000000e+00;
	v1 =	vimm.f32 $0.0e+00;
	s14 =	sadd.s32 s14, s17;
	s17 =	simm.s32 $0x9000;
	s15 =	sadd.s32 $0x2A00, s15  }
.LBB2_1:
0x11: {  	s21 =	simm.s32 $0x0;
	s22 =	simm.s32 $0x200  }
.LBB2_2:
0x12: {  	p0 =	sne.s32 s22, $0xFE00;
	[tilespmem:s21+$0x5070] =	vst v0  }
0x13: {  	[tilespmem:s21+$0x5000] =	vst v0  }
0x14: {  	[tilespmem:s21+$0x5010] =	vst v0  }
.Ltmp0:
0x15: {  	[tilespmem:s21+$0x5020] =	vst v0;
	(pc) =	sbr.rel @p0 .LBB2_2-.Ltmp0, $4  }
0x16: {  	[tilespmem:s21+$0x5030] =	vst v0  }
0x17: {  	[tilespmem:s21+$0x5040] =	vst v0  }
0x18: {  	[tilespmem:s21+$0x5050] =	vst v0  }
0x19: {  	[tilespmem:s21+$0x5060] =	vst v0;
	s21 =	sshra.s32 s22, $0x2;
	s22 =	sadd.s32 $0x200, s22  }
0x1a: {  	[tilespmem:s21+$0x5070] =	vst v0  }
0x1b: {  	[tilespmem:s21+$0x5000] =	vst v0  }
0x1c: {  	[tilespmem:s21+$0x5010] =	vst v0  }
0x1d: {  	[tilespmem:s21+$0x5020] =	vst v0  }
0x1e: {  	[tilespmem:s21+$0x5030] =	vst v0  }
0x1f: {  	[tilespmem:s21+$0x5040] =	vst v0  }
0x20: {  	[tilespmem:s21+$0x5050] =	vst v0  }
0x21: {  	[tilespmem:s21+$0x5060] =	vst v0;
	s21 =	simm.s32 $0x0;
	s22 =	simm.s32 $0x200  }
.LBB2_4:
0x22: {  	p0 =	sne.s32 s22, $0x7E00;
	[tilespmem:s21+$0x9070] =	vst v1  }
0x23: {  	[tilespmem:s21+$0x9000] =	vst v1  }
0x24: {  	[tilespmem:s21+$0x9010] =	vst v1  }
.Ltmp1:
0x25: {  	[tilespmem:s21+$0x9020] =	vst v1;
	(pc) =	sbr.rel @p0 .LBB2_4-.Ltmp1, $4  }
0x26: {  	[tilespmem:s21+$0x9030] =	vst v1  }
0x27: {  	[tilespmem:s21+$0x9040] =	vst v1  }
0x28: {  	[tilespmem:s21+$0x9050] =	vst v1  }
0x29: {  	[tilespmem:s21+$0x9060] =	vst v1;
	s21 =	sshra.s32 s22, $0x2;
	s22 =	sadd.s32 $0x200, s22  }
0x2a: {  	[tilespmem:s21+$0x9070] =	vst v1  }
0x2b: {  	[tilespmem:s21+$0x9000] =	vst v1  }
0x2c: {  	[tilespmem:s21+$0x9010] =	vst v1  }
0x2d: {  	[tilespmem:s21+$0x9020] =	vst v1  }
0x2e: {  	[tilespmem:s21+$0x9030] =	vst v1  }
0x2f: {  	[tilespmem:s21+$0x9040] =	vst v1  }
0x30: {  	[tilespmem:s21+$0x9050] =	vst v1  }
0x31: {  	[tilespmem:s21+$0x9060] =	vst v1  }
0x32: {  	[spmem:s4] =	stream.linear.scatter [tilespmem:s17], [sflag:$0x1], $0x2000, $0x38;
	[tilespmem:$0x1F000] =	vst v63  }
0x33: {  	_ =	swait.ge [sflag:s18], $0x2000  }
0x34: {  	[sflag:s18] =	ssyncset.done $0x0  }
0x35: {  	[sflag:s18] =	ssyncadd.s32 $0xFFFFE000  }
0x36: {  	[spmem:s5] =	stream.linear.scatter [tilespmem:s17], [sflag:$0x1], $0x2000, $0x38;
	[tilespmem:$0x1F000] =	vst v63  }
0x37: {  	_ =	swait.ge [sflag:s18], $0x2000  }
0x38: {  	[sflag:s18] =	ssyncset.done $0x0  }
0x39: {  	[sflag:s18] =	ssyncadd.s32 $0xFFFFE000  }
0x3a: {  	[spmem:s6] =	stream.linear.scatter [tilespmem:s17], [sflag:$0x1], $0x2000, $0x38;
	[tilespmem:$0x1F000] =	vst v63  }
0x3b: {  	_ =	swait.ge [sflag:s18], $0x2000  }
0x3c: {  	[sflag:s18] =	ssyncset.done $0x0  }
0x3d: {  	[sflag:s18] =	ssyncadd.s32 $0xFFFFE000  }
0x3e: {  	[spmem:s7] =	stream.linear.scatter [tilespmem:s17], [sflag:$0x1], $0x2000, $0x38;
	[tilespmem:$0x1F000] =	vst v63  }
0x3f: {  	_ =	swait.ge [sflag:s18], $0x2000  }
0x40: {  	[sflag:s18] =	ssyncset.done $0x0  }
0x41: {  	[sflag:s18] =	ssyncadd.s32 $0xFFFFE000  }
0x42: {  	[spmem:s8] =	stream.linear.scatter [tilespmem:s17], [sflag:$0x1], $0x2000, $0x38;
	[tilespmem:$0x1F000] =	vst v63  }
0x43: {  	_ =	swait.ge [sflag:s18], $0x2000  }
0x44: {  	[sflag:s18] =	ssyncset.done $0x0  }
0x45: {  	[sflag:s18] =	ssyncadd.s32 $0xFFFFE000  }
0x46: {  	[spmem:s9] =	stream.linear.scatter [tilespmem:s17], [sflag:$0x1], $0x2000, $0x38;
	[tilespmem:$0x1F000] =	vst v63  }
0x47: {  	_ =	swait.ge [sflag:s18], $0x2000  }
0x48: {  	[sflag:s18] =	ssyncset.done $0x0  }
0x49: {  	[sflag:s18] =	ssyncadd.s32 $0xFFFFE000  }
0x4a: {  	[spmem:s10] =	stream.linear.scatter [tilespmem:s17], [sflag:$0x1], $0x2000, $0x38;
	[tilespmem:$0x1F000] =	vst v63  }
0x4b: {  	_ =	swait.ge [sflag:s18], $0x2000  }
0x4c: {  	[sflag:s18] =	ssyncset.done $0x0  }
0x4d: {  	[sflag:s18] =	ssyncadd.s32 $0xFFFFE000  }
0x4e: {  	[spmem:s11] =	stream.linear.scatter [tilespmem:s17], [sflag:$0x1], $0x2000, $0x38;
	[tilespmem:$0x1F000] =	vst v63  }
0x4f: {  	_ =	swait.ge [sflag:s18], $0x2000  }
0x50: {  	[sflag:s18] =	ssyncset.done $0x0  }
0x51: {  	[sflag:s18] =	ssyncadd.s32 $0xFFFFE000  }
0x52: {  	[spmem:s12] =	stream.linear.scatter [tilespmem:s17], [sflag:$0x1], $0x2000, $0x38;
	[tilespmem:$0x1F000] =	vst v63  }
0x53: {  	_ =	swait.ge [sflag:s18], $0x2000  }
0x54: {  	[sflag:s18] =	ssyncset.done $0x0  }
0x55: {  	[sflag:s18] =	ssyncadd.s32 $0xFFFFE000  }
0x56: {  	[spmem:s13] =	stream.linear.scatter [tilespmem:s17], [sflag:$0x1], $0x2000, $0x38;
	[tilespmem:$0x1F000] =	vst v63  }
0x57: {  	_ =	swait.ge [sflag:s18], $0x2000  }
0x58: {  	[sflag:s18] =	ssyncset.done $0x0  }
0x59: {  	s30 =	simm.s32 $0x0;
	[sflag:s18] =	ssyncadd.s32 $0xFFFFE000  }
0x5a: {  	[tilespmem:s30], [sflag:$0x1] =	stream.linear.gather [hbm4b:s14+s30], $0x4E80, $0x38;
	[tilespmem:$0x1F000] =	vst v63  }
0x5b: {  	_ =	swait.ge [sflag:s18], $0x4E80  }
0x5c: {  	[sflag:s18] =	ssyncset.done $0x0  }
0x5d: {  	[sflag:s18] =	ssyncadd.s32 $0xFFFFB180  }
0x5e: {  	s31 =	simm.s32 $0x0;
	[bflag:$0x0] =	sbarrier.arrive $0xFFFF  }
0x5f: {  	[spmem:s2] =	stream.indirect.scatter.add.f32 [tilespmem:s20], [sflag:$0x1], $0x80, s31, s19, $0xb8;
	[tilespmem:$0x1F000] =	vst v63  }
0x60: {  	_ =	swait.ge [sflag:s18], $0x4000  }
0x61: {  	s21 =	simm.s32 $0x200;
	[sflag:s18] =	ssyncset.done $0x0  }
.LBB2_6:
0x62: {  	s22 =	sshra.s32 s21, $0x2;
	[sflag:s18] =	ssyncadd.s32 $0xFFFFC000;
	p0 =	sne.s32 s21, $0x13800  }
0x63: {  	[spmem:s2] =	stream.indirect.scatter.add.f32 [tilespmem:s20], [sflag:$0x1], $0x80, s22, s19, $0xb8;
	[tilespmem:$0x1F000] =	vst v63  }
.Ltmp2:
0x64: {  	_ = 	snop;
	(pc) =	sbr.rel @p0 .LBB2_6-.Ltmp2, $4  }
0x65: {  	_ = 	snop  }
0x66: {  	s21 =	sadd.s32 $0x200, s21  }
0x67: {  	_ =	swait.ge [sflag:s18], $0x4000  }
0x68: {  	[sflag:s18] =	ssyncset.done $0x0  }
0x69: {  	[sflag:s18] =	ssyncadd.s32 $0xFFFFC000;
	s3 =	sadd.s32 $0x1, s3  }
0x6a: {  	s21 =	sshll.u32 s0, $0x6;
	s22 =	sshrl.u32 s4, $0x3;
	p0 =	sne.s32 s3, s16  }
.Ltmp3:
0x6b: {  	[bflag:$0x0] =	sbarrier.arrive $0xFFFF;
	s21 =	sor.u32 $0x1C01, s21;
	(pc) =	sbr.rel @p0 .LBB2_1-.Ltmp3, $4  }
0x6c: {  	[hbm:s15], [sflag:s21] =	dma.local [spmem:s22], $0x2800  }
0x6d: {  	_ =	swait.ge [sflag:s18], $0x2800  }
0x6e: {  	[sflag:s18] =	ssyncset.done $0x0  }
0x6f: {  	[sflag:s18] =	ssyncadd.s32 $0xFFFFD800  }
0x70: {  	_ =	sfence.sel $0x180000  }
0x71: {  	[bflag:$0x0] =	sbarrier.arrive $0xFFFF  }
0x72: {  	p0 =	sne.s32 s0, $0x0;
	_ =	strace $0x90000047  }
0x73: {  	s0 =	sadd.s32 @!p0 $0x100000, s1;
	[bflag:$0x2] =	sbarrier.arrive $0xFFFF  }
0x74: {  	[sflag:s0] =	ssyncadd.tile.s32 @!p0 $0x1;
	_ =	shalt  }
.Lfunc_end2:
_tile_overlayer_lowered:
.L_overlay_start_2:
0x75: {  	(tag) =	ssettag $0x2  }
0x76: {  	s0 =	rddreg [dreg:$0x0];
	s2 =	stileid.u32  }
0x77: {  	s1 =	rddreg [dreg:$0x1];
	p0 =	sne.s32 s2, $0x0  }
0x78: {  	s3 =	rddreg [dreg:$0x2];
	[bflag:$0x3] =	sbarrier.arrive $0xFFFF;
	s2 =	simm.s32 @!p0 $0x1C01  }
0x79: {  	[timem:s3], [sflag:s2] =	dma.local @!p0 [hbm:s0], s1  }
0x7a: {  	s0 =	simm.s32 @!p0 $0x1  }
0x7b: {  	_ =	swait.ge @!p0 [sflag:s0], s1  }
0x7c: {  	s1 =	ssub.s32 @!p0 $0x0, s1;
	[sflag:s0] =	ssyncset.done @!p0 $0x0  }
0x7d: {  	[sflag:s0] =	ssyncadd.s32 @!p0 s1  }
0x7e: {  	[bflag:$0x3] =	sbarrier.arrive $0xFFFF  }
0x7f: {  	_ =	shalt  }

</sc_bundles>
